<compile_context>
chip_gen: v7x
topology: tpu7x:2x2x1
jax: 0.10.2.dev20260603
libtpu: 0.0.44.dev20260713+nightly
codegen_flags: <defaults>
</compile_context>

<pallas_src>
import jax
import jax.numpy as jnp
from jax import lax
from jax.experimental import pallas as pl
from jax.experimental.pallas import tpu as pltpu
from jax.experimental.pallas import tpu_sc as plsc

NUM_ROWS = 100000
DIM = 64
BATCH = 4096
HIST = 50
TOTAL = BATCH * HIST
NC = 2
NS = 16
NW = NC * NS
CHUNK = 128
N_CHUNKS = TOTAL // CHUNK
PER_W = N_CHUNKS // NW
BBLK = BATCH // CHUNK

PHYS_W = CHUNK + 1


def _transpose_chunk(rows_ref, phys_ref):
    iota16 = lax.iota(jnp.int32, 16)
    d_idx = [iota16 + k * 16 for k in range(4)]
    zero16 = jnp.zeros((16,), jnp.int32)

    @plsc.parallel_loop(0, CHUNK, unroll=8)
    def _(b):
        bv = zero16 + b
        for k in range(4):
            v = rows_ref[b, pl.ds(k * 16, 16)]
            plsc.store_scatter(phys_ref, [d_idx[k], bv], v)


def _emb_body(xt_hbm, w_hbm, out_hbm, idx_v, rows0, rows1, ph0, ph1, g0, g1, w0, w1):
    rows = (rows0, rows1)
    phys = (ph0, ph1)
    gsem = (g0, g1)
    wsem = (w0, w1)
    wid = lax.axis_index("s") * NC + lax.axis_index("c")
    c_base = wid * PER_W
    pltpu.sync_copy(xt_hbm.at[pl.ds(c_base * CHUNK, PER_W * CHUNK)], idx_v)

    def fire_gather(g, b):
        return pltpu.async_copy(
            w_hbm.at[idx_v.at[pl.ds(g * CHUNK, CHUNK)]], rows[b], gsem[b]
        )

    def wait_gather(g, b):
        pltpu.make_async_copy(
            w_hbm.at[idx_v.at[pl.ds(g * CHUNK, CHUNK)]], rows[b], gsem[b]
        ).wait()

    def fire_writes(g, b):
        c = c_base + g
        t = c // BBLK
        bb = lax.rem(c, BBLK)
        for dhi in range(8):
            pltpu.async_copy(
                phys[b].at[pl.ds(dhi * 8, 8), pl.ds(0, CHUNK)],
                out_hbm.at[t, dhi, bb],
                wsem[b],
            )

    def wait_writes(b):
        for dhi in range(8):
            pltpu.make_async_copy(
                phys[b].at[pl.ds(dhi * 8, 8), pl.ds(0, CHUNK)],
                out_hbm.at[0, dhi, 0],
                wsem[b],
            ).wait()

    fire_gather(0, 0)
    fire_gather(1, 1)

    def pair_body(i, _):
        for db in range(2):
            gg = 2 * i + db
            wait_gather(gg, db)

            @pl.when(gg >= 2)
            def _():
                wait_writes(db)

            _transpose_chunk(rows[db], phys[db])
            fire_writes(gg, db)

            @pl.when(gg + 2 < PER_W)
            def _():
                fire_gather(gg + 2, db)

        return 0

    lax.fori_loop(0, PER_W // 2, pair_body, 0)
    wait_writes(0)
    wait_writes(1)


@jax.jit
def _emb(xt_flat, weight):
    mesh = plsc.VectorSubcoreMesh(
        core_axis_name="c", subcore_axis_name="s", num_cores=NC, num_subcores=NS
    )
    run = pl.kernel(
        _emb_body,
        out_type=jax.ShapeDtypeStruct((HIST, 8, BBLK, 8, CHUNK), jnp.float32),
        mesh=mesh,
        scratch_types=[
            pltpu.VMEM((PER_W * CHUNK,), jnp.int32),
            pltpu.VMEM((CHUNK, DIM), jnp.float32),
            pltpu.VMEM((CHUNK, DIM), jnp.float32),
            pltpu.VMEM((DIM, PHYS_W), jnp.float32),
            pltpu.VMEM((DIM, PHYS_W), jnp.float32),
        ]
        + [pltpu.SemaphoreType.DMA] * 4,
        compiler_params=pltpu.CompilerParams(
            use_tc_tiling_on_sc=False, needs_layout_passes=False
        ),
    )
    return run(xt_flat, weight)


def kernel(x, weight):
    xt_flat = x.T.reshape(-1)
    phys = _emb(xt_flat, weight)
    out = phys.transpose(2, 4, 0, 1, 3).reshape(BATCH, HIST, DIM)
    return out

# --- scband reference (transcript-rebuilt; emitter-appended) ---
"""Pipeline reference for scband-semantic-embedding-76845554860631 (READ-ONLY COPY).

The authoritative reference and input builder live on the scoring server;
editing this copy changes nothing except your own understanding.
"""

import jax, jax.numpy as jnp
import numpy as np

NUM_EMBEDDINGS = 100000
EMBEDDING_DIM = 64
THRESHOLD = 0.5
BATCH = 4096
HIST_LEN = 50


def setup_inputs(seed: int = 0) -> dict:
    key = jax.random.key(seed)
    k_idx, k_w = jax.random.split(key)
    x = jax.random.randint(k_idx, (BATCH, HIST_LEN), 0, NUM_EMBEDDINGS, dtype=jnp.int64 if jax.config.jax_enable_x64 else jnp.int32)
    init_weight = jax.random.normal(k_w, (NUM_EMBEDDINGS, EMBEDDING_DIM), dtype=jnp.float32)
    init_weight = jnp.abs(init_weight)
    mask = jnp.abs(init_weight) >= THRESHOLD
    weight = init_weight * mask
    return {"x": x, "weight": weight}


def reference(x, weight):
    # Faithful translation of SemanticEmbedding.forward: self.weight[x]
    return jnp.take(weight, x, axis=0)

if __name__ == "__main__":
    import jax
    _d = setup_inputs()
    print(jax.jit(kernel)(*tuple(_d.values())))

</pallas_src>

<mosaic_0001>
#map = affine_map<(d0, d1) -> (0)>
#map1 = affine_map<(d0, d1) -> (0, 0)>
#map2 = affine_map<(d0, d1) -> (0, 0, 0, 0, 0)>
module attributes {stable_mosaic.version = 14 : i64} {
  func.func @_emb_body(%arg0: i32, %arg1: i32, %arg2: memref<204800xi32, #tpu.memory_space<hbm>>, %arg3: memref<100000x64xf32, #tpu.memory_space<hbm>>, %arg4: memref<50x8x32x8x128xf32, #tpu.memory_space<hbm>>, %arg5: memref<6400xi32, #tpu.memory_space<vmem>>, %arg6: memref<128x64xf32, #tpu.memory_space<vmem>>, %arg7: memref<128x64xf32, #tpu.memory_space<vmem>>, %arg8: memref<64x129xf32, #tpu.memory_space<vmem>>, %arg9: memref<64x129xf32, #tpu.memory_space<vmem>>, %arg10: memref<!tpu.dma_semaphore, #tpu.memory_space<semaphore_mem>>, %arg11: memref<!tpu.dma_semaphore, #tpu.memory_space<semaphore_mem>>, %arg12: memref<!tpu.dma_semaphore, #tpu.memory_space<semaphore_mem>>, %arg13: memref<!tpu.dma_semaphore, #tpu.memory_space<semaphore_mem>>) attributes {dimension_semantics = [#tpu.dimension_semantics<core_parallel>, #tpu.dimension_semantics<subcore_parallel>], iteration_bounds = array<i64: 2, 16>, scalar_prefetch = 0 : i64, scratch_operands = 9 : i64, tpu.core_type = #tpu.core_type<sc_vector_subcore>, window_params = [{transform_indices = #map}, {transform_indices = #map1}, {transform_indices = #map2}]} {
    %mul3A = arith.constant 2 : i32
    %mul3A_0 = arith.muli %arg1, %mul3A : i32
    %add3A = arith.addi %mul3A_0, %arg0 : i32
    %mul3A_1 = arith.constant 50 : i32
    %mul3A_2 = arith.muli %add3A, %mul3A_1 : i32
    %mul3A_3 = arith.constant 128 : i32
    %mul3A_4 = arith.muli %mul3A_2, %mul3A_3 : i32
    "tpu.region"() ({
      %run_scoped3A = tpu.sem_alloc : memref<!tpu.dma_semaphore, #tpu.memory_space<semaphore_mem>>
      %dma_start3A_291 = tpu.memref_slice %arg2[%mul3A_4] : memref<204800xi32, #tpu.memory_space<hbm>> -> memref<6400xi32, #tpu.memory_space<hbm>>
      %dma_start3A_292 = tpu.memref_slice %arg2[%mul3A_4] : memref<204800xi32, #tpu.memory_space<hbm>> -> memref<6400xi32, #tpu.memory_space<hbm>>
      tpu.enqueue_dma source(%dma_start3A_292 : memref<6400xi32, #tpu.memory_space<hbm>>) target(%arg5 : memref<6400xi32, #tpu.memory_space<vmem>>) target_semaphore(%run_scoped3A : memref<!tpu.dma_semaphore, #tpu.memory_space<semaphore_mem>>)
      %dma_wait3A_293 = tpu.memref_slice %arg2[%mul3A_4] : memref<204800xi32, #tpu.memory_space<hbm>> -> memref<6400xi32, #tpu.memory_space<hbm>>
      %dma_wait3A_294 = tpu.memref_slice %arg2[%mul3A_4] : memref<204800xi32, #tpu.memory_space<hbm>> -> memref<6400xi32, #tpu.memory_space<hbm>>
      tpu.wait_dma2 semaphore(%run_scoped3A : memref<!tpu.dma_semaphore, #tpu.memory_space<semaphore_mem>>) src(%dma_wait3A_294 : memref<6400xi32, #tpu.memory_space<hbm>>) dst(%arg5 : memref<6400xi32, #tpu.memory_space<vmem>>)
      tpu.yield
    }) : () -> ()
    %dma_start3A = arith.constant 0 : i32
    %dma_start3A_5 = tpu.memref_slice %arg5[%dma_start3A] : memref<6400xi32, #tpu.memory_space<vmem>> -> memref<128xi32, #tpu.memory_space<vmem>>
    %dma_start3A_6 = arith.constant 0 : i32
    %dma_start3A_7 = arith.constant 0 : i32
    %dma_start3A_8 = tpu.memref_slice %arg3[%dma_start3A_6, %dma_start3A_7] : memref<100000x64xf32, #tpu.memory_space<hbm>> -> memref<100000x64xf32, #tpu.memory_space<hbm>>
    tpu.enqueue_indirect_dma source(%dma_start3A_8 : memref<100000x64xf32, #tpu.memory_space<hbm>>) target(%arg6 : memref<128x64xf32, #tpu.memory_space<vmem>>) offsets(%dma_start3A_5 : memref<128xi32, #tpu.memory_space<vmem>>) semaphore(%arg10 : memref<!tpu.dma_semaphore, #tpu.memory_space<semaphore_mem>>)
    %dma_start3A_9 = arith.constant 128 : i32
    %dma_start3A_10 = tpu.memref_slice %arg5[%dma_start3A_9] : memref<6400xi32, #tpu.memory_space<vmem>> -> memref<128xi32, #tpu.memory_space<vmem>>
    %dma_start3A_11 = arith.constant 0 : i32
    %dma_start3A_12 = arith.constant 0 : i32
    %dma_start3A_13 = tpu.memref_slice %arg3[%dma_start3A_11, %dma_start3A_12] : memref<100000x64xf32, #tpu.memory_space<hbm>> -> memref<100000x64xf32, #tpu.memory_space<hbm>>
    tpu.enqueue_indirect_dma source(%dma_start3A_13 : memref<100000x64xf32, #tpu.memory_space<hbm>>) target(%arg7 : memref<128x64xf32, #tpu.memory_space<vmem>>) offsets(%dma_start3A_10 : memref<128xi32, #tpu.memory_space<vmem>>) semaphore(%arg11 : memref<!tpu.dma_semaphore, #tpu.memory_space<semaphore_mem>>)
    %scan3A = arith.constant 0 : i32
    %scan3A_14 = arith.constant 0 : i32
    %scan3A_15 = arith.constant 25 : i32
    %scan3A_16 = arith.addi %scan3A_14, %scan3A_15 : i32
    %scan3A_17 = arith.constant 1 : i32
    %scan3A_18 = scf.for %scan3A_291 = %scan3A_14 to %scan3A_16 step %scan3A_17 iter_args(%scan3A_292 = %scan3A) -> (i32)  : i32 {
      %mul3A_293 = arith.constant 2 : i32
      %mul3A_294 = arith.muli %mul3A_293, %scan3A_291 : i32
      %add3A_295 = arith.constant 0 : i32
      %add3A_296 = arith.addi %mul3A_294, %add3A_295 : i32
      %mul3A_297 = arith.constant 128 : i32
      %mul3A_298 = arith.muli %add3A_296, %mul3A_297 : i32
      %dma_wait3A_299 = tpu.memref_slice %arg5[%mul3A_298] : memref<6400xi32, #tpu.memory_space<vmem>> -> memref<128xi32, #tpu.memory_space<vmem>>
      %dma_wait3A_300 = arith.constant 0 : i32
      %dma_wait3A_301 = arith.constant 0 : i32
      %dma_wait3A_302 = tpu.memref_slice %arg3[%dma_wait3A_300, %dma_wait3A_301] : memref<100000x64xf32, #tpu.memory_space<hbm>> -> memref<100000x64xf32, #tpu.memory_space<hbm>>
      tpu.wait_indirect_dma semaphore(%arg10 : memref<!tpu.dma_semaphore, #tpu.memory_space<semaphore_mem>>) src(%dma_wait3A_302 : memref<100000x64xf32, #tpu.memory_space<hbm>>) dst(%arg6 : memref<128x64xf32, #tpu.memory_space<vmem>>)
      %ge3A = arith.constant 2 : i32
      %ge3A_303 = arith.cmpi sge, %add3A_296, %ge3A : i32
      %convert_element_type3A = arith.extui %ge3A_303 : i1 to i32
      %cond3A = arith.constant 0 : i32
      %cond3A_304 = arith.cmpi ne, %convert_element_type3A, %cond3A : i32
      scf.if %cond3A_304 {
        %dma_wait3A_653 = arith.constant 0 : i32
        %dma_wait3A_654 = arith.constant 0 : i32
        %dma_wait3A_655 = arith.constant 0 : i32
        %dma_wait3A_656 = arith.constant 0 : i32
        %dma_wait3A_657 = arith.constant 0 : i32
        %dma_wait3A_658 = tpu.memref_slice %arg8[%dma_wait3A_656, %dma_wait3A_657] : memref<64x129xf32, #tpu.memory_space<vmem>> -> memref<8x128xf32, #tpu.memory_space<vmem>>
        %dma_wait3A_659 = arith.constant 0 : i32
        %dma_wait3A_660 = arith.constant 0 : i32
        %dma_wait3A_661 = tpu.memref_slice %arg4[%dma_wait3A_653, %dma_wait3A_654, %dma_wait3A_655, %dma_wait3A_659, %dma_wait3A_660] : memref<50x8x32x8x128xf32, #tpu.memory_space<hbm>> -> memref<1x1x1x8x128xf32, #tpu.memory_space<hbm>>
        %dma_wait3A_662 = tpu.memref_squeeze %dma_wait3A_661 : memref<1x1x1x8x128xf32, #tpu.memory_space<hbm>> -> memref<8x128xf32, #tpu.memory_space<hbm>>
        %dma_wait3A_663 = arith.constant 0 : i32
        %dma_wait3A_664 = arith.constant 0 : i32
        %dma_wait3A_665 = tpu.memref_slice %arg4[%dma_wait3A_653, %dma_wait3A_654, %dma_wait3A_655, %dma_wait3A_663, %dma_wait3A_664] : memref<50x8x32x8x128xf32, #tpu.memory_space<hbm>> -> memref<1x1x1x8x128xf32, #tpu.memory_space<hbm>>
        %dma_wait3A_666 = tpu.memref_squeeze %dma_wait3A_665 : memref<1x1x1x8x128xf32, #tpu.memory_space<hbm>> -> memref<8x128xf32, #tpu.memory_space<hbm>>
        %dma_wait3A_667 = arith.constant 0 : i32
        %dma_wait3A_668 = arith.constant 0 : i32
        %dma_wait3A_669 = tpu.memref_slice %arg8[%dma_wait3A_667, %dma_wait3A_668] : memref<64x129xf32, #tpu.memory_space<vmem>> -> memref<8x128xf32, #tpu.memory_space<vmem>>
        tpu.wait_dma2 semaphore(%arg12 : memref<!tpu.dma_semaphore, #tpu.memory_space<semaphore_mem>>) src(%dma_wait3A_669 : memref<8x128xf32, #tpu.memory_space<vmem>>) dst(%dma_wait3A_666 : memref<8x128xf32, #tpu.memory_space<hbm>>)
        %dma_wait3A_670 = arith.constant 0 : i32
        %dma_wait3A_671 = arith.constant 1 : i32
        %dma_wait3A_672 = arith.constant 0 : i32
        %dma_wait3A_673 = arith.constant 8 : i32
        %dma_wait3A_674 = arith.constant 0 : i32
        %dma_wait3A_675 = tpu.memref_slice %arg8[%dma_wait3A_673, %dma_wait3A_674] : memref<64x129xf32, #tpu.memory_space<vmem>> -> memref<8x128xf32, #tpu.memory_space<vmem>>
        %dma_wait3A_676 = arith.constant 0 : i32
        %dma_wait3A_677 = arith.constant 0 : i32
        %dma_wait3A_678 = tpu.memref_slice %arg4[%dma_wait3A_670, %dma_wait3A_671, %dma_wait3A_672, %dma_wait3A_676, %dma_wait3A_677] : memref<50x8x32x8x128xf32, #tpu.memory_space<hbm>> -> memref<1x1x1x8x128xf32, #tpu.memory_space<hbm>>
        %dma_wait3A_679 = tpu.memref_squeeze %dma_wait3A_678 : memref<1x1x1x8x128xf32, #tpu.memory_space<hbm>> -> memref<8x128xf32, #tpu.memory_space<hbm>>
        %dma_wait3A_680 = arith.constant 0 : i32
        %dma_wait3A_681 = arith.constant 0 : i32
        %dma_wait3A_682 = tpu.memref_slice %arg4[%dma_wait3A_670, %dma_wait3A_671, %dma_wait3A_672, %dma_wait3A_680, %dma_wait3A_681] : memref<50x8x32x8x128xf32, #tpu.memory_space<hbm>> -> memref<1x1x1x8x128xf32, #tpu.memory_space<hbm>>
        %dma_wait3A_683 = tpu.memref_squeeze %dma_wait3A_682 : memref<1x1x1x8x128xf32, #tpu.memory_space<hbm>> -> memref<8x128xf32, #tpu.memory_space<hbm>>
        %dma_wait3A_684 = arith.constant 8 : i32
        %dma_wait3A_685 = arith.constant 0 : i32
        %dma_wait3A_686 = tpu.memref_slice %arg8[%dma_wait3A_684, %dma_wait3A_685] : memref<64x129xf32, #tpu.memory_space<vmem>> -> memref<8x128xf32, #tpu.memory_space<vmem>>
        tpu.wait_dma2 semaphore(%arg12 : memref<!tpu.dma_semaphore, #tpu.memory_space<semaphore_mem>>) src(%dma_wait3A_686 : memref<8x128xf32, #tpu.memory_space<vmem>>) dst(%dma_wait3A_683 : memref<8x128xf32, #tpu.memory_space<hbm>>)
        %dma_wait3A_687 = arith.constant 0 : i32
        %dma_wait3A_688 = arith.constant 2 : i32
        %dma_wait3A_689 = arith.constant 0 : i32
        %dma_wait3A_690 = arith.constant 16 : i32
        %dma_wait3A_691 = arith.constant 0 : i32
        %dma_wait3A_692 = tpu.memref_slice %arg8[%dma_wait3A_690, %dma_wait3A_691] : memref<64x129xf32, #tpu.memory_space<vmem>> -> memref<8x128xf32, #tpu.memory_space<vmem>>
        %dma_wait3A_693 = arith.constant 0 : i32
        %dma_wait3A_694 = arith.constant 0 : i32
        %dma_wait3A_695 = tpu.memref_slice %arg4[%dma_wait3A_687, %dma_wait3A_688, %dma_wait3A_689, %dma_wait3A_693, %dma_wait3A_694] : memref<50x8x32x8x128xf32, #tpu.memory_space<hbm>> -> memref<1x1x1x8x128xf32, #tpu.memory_space<hbm>>
        %dma_wait3A_696 = tpu.memref_squeeze %dma_wait3A_695 : memref<1x1x1x8x128xf32, #tpu.memory_space<hbm>> -> memref<8x128xf32, #tpu.memory_space<hbm>>
        %dma_wait3A_697 = arith.constant 0 : i32
        %dma_wait3A_698 = arith.constant 0 : i32
        %dma_wait3A_699 = tpu.memref_slice %arg4[%dma_wait3A_687, %dma_wait3A_688, %dma_wait3A_689, %dma_wait3A_697, %dma_wait3A_698] : memref<50x8x32x8x128xf32, #tpu.memory_space<hbm>> -> memref<1x1x1x8x128xf32, #tpu.memory_space<hbm>>
        %dma_wait3A_700 = tpu.memref_squeeze %dma_wait3A_699 : memref<1x1x1x8x128xf32, #tpu.memory_space<hbm>> -> memref<8x128xf32, #tpu.memory_space<hbm>>
        %dma_wait3A_701 = arith.constant 16 : i32
        %dma_wait3A_702 = arith.constant 0 : i32
        %dma_wait3A_703 = tpu.memref_slice %arg8[%dma_wait3A_701, %dma_wait3A_702] : memref<64x129xf32, #tpu.memory_space<vmem>> -> memref<8x128xf32, #tpu.memory_space<vmem>>
        tpu.wait_dma2 semaphore(%arg12 : memref<!tpu.dma_semaphore, #tpu.memory_space<semaphore_mem>>) src(%dma_wait3A_703 : memref<8x128xf32, #tpu.memory_space<vmem>>) dst(%dma_wait3A_700 : memref<8x128xf32, #tpu.memory_space<hbm>>)
        %dma_wait3A_704 = arith.constant 0 : i32
        %dma_wait3A_705 = arith.constant 3 : i32
        %dma_wait3A_706 = arith.constant 0 : i32
        %dma_wait3A_707 = arith.constant 24 : i32
        %dma_wait3A_708 = arith.constant 0 : i32
        %dma_wait3A_709 = tpu.memref_slice %arg8[%dma_wait3A_707, %dma_wait3A_708] : memref<64x129xf32, #tpu.memory_space<vmem>> -> memref<8x128xf32, #tpu.memory_space<vmem>>
        %dma_wait3A_710 = arith.constant 0 : i32
        %dma_wait3A_711 = arith.constant 0 : i32
        %dma_wait3A_712 = tpu.memref_slice %arg4[%dma_wait3A_704, %dma_wait3A_705, %dma_wait3A_706, %dma_wait3A_710, %dma_wait3A_711] : memref<50x8x32x8x128xf32, #tpu.memory_space<hbm>> -> memref<1x1x1x8x128xf32, #tpu.memory_space<hbm>>
        %dma_wait3A_713 = tpu.memref_squeeze %dma_wait3A_712 : memref<1x1x1x8x128xf32, #tpu.memory_space<hbm>> -> memref<8x128xf32, #tpu.memory_space<hbm>>
        %dma_wait3A_714 = arith.constant 0 : i32
        %dma_wait3A_715 = arith.constant 0 : i32
        %dma_wait3A_716 = tpu.memref_slice %arg4[%dma_wait3A_704, %dma_wait3A_705, %dma_wait3A_706, %dma_wait3A_714, %dma_wait3A_715] : memref<50x8x32x8x128xf32, #tpu.memory_space<hbm>> -> memref<1x1x1x8x128xf32, #tpu.memory_space<hbm>>
        %dma_wait3A_717 = tpu.memref_squeeze %dma_wait3A_716 : memref<1x1x1x8x128xf32, #tpu.memory_space<hbm>> -> memref<8x128xf32, #tpu.memory_space<hbm>>
        %dma_wait3A_718 = arith.constant 24 : i32
        %dma_wait3A_719 = arith.constant 0 : i32
        %dma_wait3A_720 = tpu.memref_slice %arg8[%dma_wait3A_718, %dma_wait3A_719] : memref<64x129xf32, #tpu.memory_space<vmem>> -> memref<8x128xf32, #tpu.memory_space<vmem>>
        tpu.wait_dma2 semaphore(%arg12 : memref<!tpu.dma_semaphore, #tpu.memory_space<semaphore_mem>>) src(%dma_wait3A_720 : memref<8x128xf32, #tpu.memory_space<vmem>>) dst(%dma_wait3A_717 : memref<8x128xf32, #tpu.memory_space<hbm>>)
        %dma_wait3A_721 = arith.constant 0 : i32
        %dma_wait3A_722 = arith.constant 4 : i32
        %dma_wait3A_723 = arith.constant 0 : i32
        %dma_wait3A_724 = arith.constant 32 : i32
        %dma_wait3A_725 = arith.constant 0 : i32
        %dma_wait3A_726 = tpu.memref_slice %arg8[%dma_wait3A_724, %dma_wait3A_725] : memref<64x129xf32, #tpu.memory_space<vmem>> -> memref<8x128xf32, #tpu.memory_space<vmem>>
        %dma_wait3A_727 = arith.constant 0 : i32
        %dma_wait3A_728 = arith.constant 0 : i32
        %dma_wait3A_729 = tpu.memref_slice %arg4[%dma_wait3A_721, %dma_wait3A_722, %dma_wait3A_723, %dma_wait3A_727, %dma_wait3A_728] : memref<50x8x32x8x128xf32, #tpu.memory_space<hbm>> -> memref<1x1x1x8x128xf32, #tpu.memory_space<hbm>>
        %dma_wait3A_730 = tpu.memref_squeeze %dma_wait3A_729 : memref<1x1x1x8x128xf32, #tpu.memory_space<hbm>> -> memref<8x128xf32, #tpu.memory_space<hbm>>
        %dma_wait3A_731 = arith.constant 0 : i32
        %dma_wait3A_732 = arith.constant 0 : i32
        %dma_wait3A_733 = tpu.memref_slice %arg4[%dma_wait3A_721, %dma_wait3A_722, %dma_wait3A_723, %dma_wait3A_731, %dma_wait3A_732] : memref<50x8x32x8x128xf32, #tpu.memory_space<hbm>> -> memref<1x1x1x8x128xf32, #tpu.memory_space<hbm>>
        %dma_wait3A_734 = tpu.memref_squeeze %dma_wait3A_733 : memref<1x1x1x8x128xf32, #tpu.memory_space<hbm>> -> memref<8x128xf32, #tpu.memory_space<hbm>>
        %dma_wait3A_735 = arith.constant 32 : i32
        %dma_wait3A_736 = arith.constant 0 : i32
        %dma_wait3A_737 = tpu.memref_slice %arg8[%dma_wait3A_735, %dma_wait3A_736] : memref<64x129xf32, #tpu.memory_space<vmem>> -> memref<8x128xf32, #tpu.memory_space<vmem>>
        tpu.wait_dma2 semaphore(%arg12 : memref<!tpu.dma_semaphore, #tpu.memory_space<semaphore_mem>>) src(%dma_wait3A_737 : memref<8x128xf32, #tpu.memory_space<vmem>>) dst(%dma_wait3A_734 : memref<8x128xf32, #tpu.memory_space<hbm>>)
        %dma_wait3A_738 = arith.constant 0 : i32
        %dma_wait3A_739 = arith.constant 5 : i32
        %dma_wait3A_740 = arith.constant 0 : i32
        %dma_wait3A_741 = arith.constant 40 : i32
        %dma_wait3A_742 = arith.constant 0 : i32
        %dma_wait3A_743 = tpu.memref_slice %arg8[%dma_wait3A_741, %dma_wait3A_742] : memref<64x129xf32, #tpu.memory_space<vmem>> -> memref<8x128xf32, #tpu.memory_space<vmem>>
        %dma_wait3A_744 = arith.constant 0 : i32
        %dma_wait3A_745 = arith.constant 0 : i32
        %dma_wait3A_746 = tpu.memref_slice %arg4[%dma_wait3A_738, %dma_wait3A_739, %dma_wait3A_740, %dma_wait3A_744, %dma_wait3A_745] : memref<50x8x32x8x128xf32, #tpu.memory_space<hbm>> -> memref<1x1x1x8x128xf32, #tpu.memory_space<hbm>>
        %dma_wait3A_747 = tpu.memref_squeeze %dma_wait3A_746 : memref<1x1x1x8x128xf32, #tpu.memory_space<hbm>> -> memref<8x128xf32, #tpu.memory_space<hbm>>
        %dma_wait3A_748 = arith.constant 0 : i32
        %dma_wait3A_749 = arith.constant 0 : i32
        %dma_wait3A_750 = tpu.memref_slice %arg4[%dma_wait3A_738, %dma_wait3A_739, %dma_wait3A_740, %dma_wait3A_748, %dma_wait3A_749] : memref<50x8x32x8x128xf32, #tpu.memory_space<hbm>> -> memref<1x1x1x8x128xf32, #tpu.memory_space<hbm>>
        %dma_wait3A_751 = tpu.memref_squeeze %dma_wait3A_750 : memref<1x1x1x8x128xf32, #tpu.memory_space<hbm>> -> memref<8x128xf32, #tpu.memory_space<hbm>>
        %dma_wait3A_752 = arith.constant 40 : i32
        %dma_wait3A_753 = arith.constant 0 : i32
        %dma_wait3A_754 = tpu.memref_slice %arg8[%dma_wait3A_752, %dma_wait3A_753] : memref<64x129xf32, #tpu.memory_space<vmem>> -> memref<8x128xf32, #tpu.memory_space<vmem>>
        tpu.wait_dma2 semaphore(%arg12 : memref<!tpu.dma_semaphore, #tpu.memory_space<semaphore_mem>>) src(%dma_wait3A_754 : memref<8x128xf32, #tpu.memory_space<vmem>>) dst(%dma_wait3A_751 : memref<8x128xf32, #tpu.memory_space<hbm>>)
        %dma_wait3A_755 = arith.constant 0 : i32
        %dma_wait3A_756 = arith.constant 6 : i32
        %dma_wait3A_757 = arith.constant 0 : i32
        %dma_wait3A_758 = arith.constant 48 : i32
        %dma_wait3A_759 = arith.constant 0 : i32
        %dma_wait3A_760 = tpu.memref_slice %arg8[%dma_wait3A_758, %dma_wait3A_759] : memref<64x129xf32, #tpu.memory_space<vmem>> -> memref<8x128xf32, #tpu.memory_space<vmem>>
        %dma_wait3A_761 = arith.constant 0 : i32
        %dma_wait3A_762 = arith.constant 0 : i32
        %dma_wait3A_763 = tpu.memref_slice %arg4[%dma_wait3A_755, %dma_wait3A_756, %dma_wait3A_757, %dma_wait3A_761, %dma_wait3A_762] : memref<50x8x32x8x128xf32, #tpu.memory_space<hbm>> -> memref<1x1x1x8x128xf32, #tpu.memory_space<hbm>>
        %dma_wait3A_764 = tpu.memref_squeeze %dma_wait3A_763 : memref<1x1x1x8x128xf32, #tpu.memory_space<hbm>> -> memref<8x128xf32, #tpu.memory_space<hbm>>
        %dma_wait3A_765 = arith.constant 0 : i32
        %dma_wait3A_766 = arith.constant 0 : i32
        %dma_wait3A_767 = tpu.memref_slice %arg4[%dma_wait3A_755, %dma_wait3A_756, %dma_wait3A_757, %dma_wait3A_765, %dma_wait3A_766] : memref<50x8x32x8x128xf32, #tpu.memory_space<hbm>> -> memref<1x1x1x8x128xf32, #tpu.memory_space<hbm>>
        %dma_wait3A_768 = tpu.memref_squeeze %dma_wait3A_767 : memref<1x1x1x8x128xf32, #tpu.memory_space<hbm>> -> memref<8x128xf32, #tpu.memory_space<hbm>>
        %dma_wait3A_769 = arith.constant 48 : i32
        %dma_wait3A_770 = arith.constant 0 : i32
        %dma_wait3A_771 = tpu.memref_slice %arg8[%dma_wait3A_769, %dma_wait3A_770] : memref<64x129xf32, #tpu.memory_space<vmem>> -> memref<8x128xf32, #tpu.memory_space<vmem>>
        tpu.wait_dma2 semaphore(%arg12 : memref<!tpu.dma_semaphore, #tpu.memory_space<semaphore_mem>>) src(%dma_wait3A_771 : memref<8x128xf32, #tpu.memory_space<vmem>>) dst(%dma_wait3A_768 : memref<8x128xf32, #tpu.memory_space<hbm>>)
        %dma_wait3A_772 = arith.constant 0 : i32
        %dma_wait3A_773 = arith.constant 7 : i32
        %dma_wait3A_774 = arith.constant 0 : i32
        %dma_wait3A_775 = arith.constant 56 : i32
        %dma_wait3A_776 = arith.constant 0 : i32
        %dma_wait3A_777 = tpu.memref_slice %arg8[%dma_wait3A_775, %dma_wait3A_776] : memref<64x129xf32, #tpu.memory_space<vmem>> -> memref<8x128xf32, #tpu.memory_space<vmem>>
        %dma_wait3A_778 = arith.constant 0 : i32
        %dma_wait3A_779 = arith.constant 0 : i32
        %dma_wait3A_780 = tpu.memref_slice %arg4[%dma_wait3A_772, %dma_wait3A_773, %dma_wait3A_774, %dma_wait3A_778, %dma_wait3A_779] : memref<50x8x32x8x128xf32, #tpu.memory_space<hbm>> -> memref<1x1x1x8x128xf32, #tpu.memory_space<hbm>>
        %dma_wait3A_781 = tpu.memref_squeeze %dma_wait3A_780 : memref<1x1x1x8x128xf32, #tpu.memory_space<hbm>> -> memref<8x128xf32, #tpu.memory_space<hbm>>
        %dma_wait3A_782 = arith.constant 0 : i32
        %dma_wait3A_783 = arith.constant 0 : i32
        %dma_wait3A_784 = tpu.memref_slice %arg4[%dma_wait3A_772, %dma_wait3A_773, %dma_wait3A_774, %dma_wait3A_782, %dma_wait3A_783] : memref<50x8x32x8x128xf32, #tpu.memory_space<hbm>> -> memref<1x1x1x8x128xf32, #tpu.memory_space<hbm>>
        %dma_wait3A_785 = tpu.memref_squeeze %dma_wait3A_784 : memref<1x1x1x8x128xf32, #tpu.memory_space<hbm>> -> memref<8x128xf32, #tpu.memory_space<hbm>>
        %dma_wait3A_786 = arith.constant 56 : i32
        %dma_wait3A_787 = arith.constant 0 : i32
        %dma_wait3A_788 = tpu.memref_slice %arg8[%dma_wait3A_786, %dma_wait3A_787] : memref<64x129xf32, #tpu.memory_space<vmem>> -> memref<8x128xf32, #tpu.memory_space<vmem>>
        tpu.wait_dma2 semaphore(%arg12 : memref<!tpu.dma_semaphore, #tpu.memory_space<semaphore_mem>>) src(%dma_wait3A_788 : memref<8x128xf32, #tpu.memory_space<vmem>>) dst(%dma_wait3A_785 : memref<8x128xf32, #tpu.memory_space<hbm>>)
      } else {
      }
      %iota3A = tpu.iota {dimensions = array<i32: 0>} : vector<16xi32>
      %add3A_305 = arith.constant 0 : i32
      %add3A_306 = vector.broadcast %add3A_305 : i32 to vector<16xi32>
      %add3A_307 = arith.addi %iota3A, %add3A_306 : vector<16xi32>
      %add3A_308 = arith.constant 16 : i32
      %add3A_309 = vector.broadcast %add3A_308 : i32 to vector<16xi32>
      %add3A_310 = arith.addi %iota3A, %add3A_309 : vector<16xi32>
      %add3A_311 = arith.constant 32 : i32
      %add3A_312 = vector.broadcast %add3A_311 : i32 to vector<16xi32>
      %add3A_313 = arith.addi %iota3A, %add3A_312 : vector<16xi32>
      %add3A_314 = arith.constant 48 : i32
      %add3A_315 = vector.broadcast %add3A_314 : i32 to vector<16xi32>
      %add3A_316 = arith.addi %iota3A, %add3A_315 : vector<16xi32>
      %broadcast_in_dim3A = arith.constant 0 : i32
      %broadcast_in_dim3A_317 = vector.broadcast %broadcast_in_dim3A : i32 to vector<16xi32>
      %parallel_loop3A = arith.constant 0 : i32
      %parallel_loop3A_318 = arith.constant 128 : i32
      %parallel_loop3A_319 = arith.constant 1 : i32
      scf.for %parallel_loop3A_653 = %parallel_loop3A to %parallel_loop3A_318 step %parallel_loop3A_319  : i32 {
        %parallel_loop3A_654 = vector.broadcast %parallel_loop3A_653 : i32 to vector<16xi32>
        %parallel_loop3A_655 = arith.addi %broadcast_in_dim3A_317, %parallel_loop3A_654 : vector<16xi32>
        %parallel_loop3A_656 = arith.index_cast %parallel_loop3A_653 : i32 to index
        %parallel_loop3A_657 = arith.constant 0 : index
        %parallel_loop3A_658 = tpu.vector_load %arg6[%parallel_loop3A_656, %parallel_loop3A_657] {strides = array<i32>} : memref<128x64xf32, #tpu.memory_space<vmem>>, vector<16xf32>,
        tpu.vector_store_idx %arg8[%add3A_307, %parallel_loop3A_655], %parallel_loop3A_658 : memref<64x129xf32, #tpu.memory_space<vmem>>[vector<16xi32>, vector<16xi32>], vector<16xf32>,
        %parallel_loop3A_659 = arith.index_cast %parallel_loop3A_653 : i32 to index
        %parallel_loop3A_660 = arith.constant 16 : index
        %parallel_loop3A_661 = tpu.vector_load %arg6[%parallel_loop3A_659, %parallel_loop3A_660] {strides = array<i32>} : memref<128x64xf32, #tpu.memory_space<vmem>>, vector<16xf32>,
        tpu.vector_store_idx %arg8[%add3A_310, %parallel_loop3A_655], %parallel_loop3A_661 : memref<64x129xf32, #tpu.memory_space<vmem>>[vector<16xi32>, vector<16xi32>], vector<16xf32>,
        %parallel_loop3A_662 = arith.index_cast %parallel_loop3A_653 : i32 to index
        %parallel_loop3A_663 = arith.constant 32 : index
        %parallel_loop3A_664 = tpu.vector_load %arg6[%parallel_loop3A_662, %parallel_loop3A_663] {strides = array<i32>} : memref<128x64xf32, #tpu.memory_space<vmem>>, vector<16xf32>,
        tpu.vector_store_idx %arg8[%add3A_313, %parallel_loop3A_655], %parallel_loop3A_664 : memref<64x129xf32, #tpu.memory_space<vmem>>[vector<16xi32>, vector<16xi32>], vector<16xf32>,
        %parallel_loop3A_665 = arith.index_cast %parallel_loop3A_653 : i32 to index
        %parallel_loop3A_666 = arith.constant 48 : index
        %parallel_loop3A_667 = tpu.vector_load %arg6[%parallel_loop3A_665, %parallel_loop3A_666] {strides = array<i32>} : memref<128x64xf32, #tpu.memory_space<vmem>>, vector<16xf32>,
        tpu.vector_store_idx %arg8[%add3A_316, %parallel_loop3A_655], %parallel_loop3A_667 : memref<64x129xf32, #tpu.memory_space<vmem>>[vector<16xi32>, vector<16xi32>], vector<16xf32>,
      } {sc.loop_unroll_factor = 8 : i64, sc.parallel_access}
      %add3A_320 = arith.addi %mul3A_2, %add3A_296 : i32
      %jit3A = arith.constant 32 : i32
      %div3A = arith.divsi %add3A_320, %jit3A : i32
      %sign3A = arith.constant 0 : i32
      %sign3A_321 = arith.cmpi sgt, %add3A_320, %sign3A : i32
      %sign3A_322 = arith.extui %sign3A_321 : i1 to i32
      %sign3A_323 = arith.constant 0 : i32
      %sign3A_324 = arith.cmpi slt, %add3A_320, %sign3A_323 : i32
      %sign3A_325 = arith.extui %sign3A_324 : i1 to i32
      %sign3A_326 = arith.subi %sign3A_322, %sign3A_325 : i32
      %sign3A_327 = arith.constant 0 : i32
      %sign3A_328 = arith.cmpi sgt, %jit3A, %sign3A_327 : i32
      %sign3A_329 = arith.extui %sign3A_328 : i1 to i32
      %sign3A_330 = arith.constant 0 : i32
      %sign3A_331 = arith.cmpi slt, %jit3A, %sign3A_330 : i32
      %sign3A_332 = arith.extui %sign3A_331 : i1 to i32
      %sign3A_333 = arith.subi %sign3A_329, %sign3A_332 : i32
      %ne3A = arith.cmpi ne, %sign3A_326, %sign3A_333 : i32
      %rem3A = arith.remsi %add3A_320, %jit3A : i32
      %ne3A_334 = arith.constant 0 : i32
      %ne3A_335 = arith.cmpi ne, %rem3A, %ne3A_334 : i32
      %and3A = arith.andi %ne3A, %ne3A_335 : i1
      %sub3A = arith.constant 1 : i32
      %sub3A_336 = arith.subi %div3A, %sub3A : i32
      %select_n3A = arith.select %and3A, %sub3A_336, %div3A : i32
      %rem3A_337 = arith.constant 32 : i32
      %rem3A_338 = arith.remsi %add3A_320, %rem3A_337 : i32
      %dma_start3A_339 = arith.constant 0 : i32
      %dma_start3A_340 = arith.constant 0 : i32
      %dma_start3A_341 = arith.constant 0 : i32
      %dma_start3A_342 = tpu.memref_slice %arg8[%dma_start3A_340, %dma_start3A_341] : memref<64x129xf32, #tpu.memory_space<vmem>> -> memref<8x128xf32, #tpu.memory_space<vmem>>
      %dma_start3A_343 = arith.constant 0 : i32
      %dma_start3A_344 = arith.constant 0 : i32
      %dma_start3A_345 = tpu.memref_slice %arg4[%select_n3A, %dma_start3A_339, %rem3A_338, %dma_start3A_343, %dma_start3A_344] : memref<50x8x32x8x128xf32, #tpu.memory_space<hbm>> -> memref<1x1x1x8x128xf32, #tpu.memory_space<hbm>>
      %dma_start3A_346 = tpu.memref_squeeze %dma_start3A_345 : memref<1x1x1x8x128xf32, #tpu.memory_space<hbm>> -> memref<8x128xf32, #tpu.memory_space<hbm>>
      %dma_start3A_347 = arith.constant 0 : i32
      %dma_start3A_348 = arith.constant 0 : i32
      %dma_start3A_349 = tpu.memref_slice %arg4[%select_n3A, %dma_start3A_339, %rem3A_338, %dma_start3A_347, %dma_start3A_348] : memref<50x8x32x8x128xf32, #tpu.memory_space<hbm>> -> memref<1x1x1x8x128xf32, #tpu.memory_space<hbm>>
      %dma_start3A_350 = tpu.memref_squeeze %dma_start3A_349 : memref<1x1x1x8x128xf32, #tpu.memory_space<hbm>> -> memref<8x128xf32, #tpu.memory_space<hbm>>
      %dma_start3A_351 = arith.constant 0 : i32
      %dma_start3A_352 = arith.constant 0 : i32
      %dma_start3A_353 = tpu.memref_slice %arg8[%dma_start3A_351, %dma_start3A_352] : memref<64x129xf32, #tpu.memory_space<vmem>> -> memref<8x128xf32, #tpu.memory_space<vmem>>
      tpu.enqueue_dma source(%dma_start3A_353 : memref<8x128xf32, #tpu.memory_space<vmem>>) target(%dma_start3A_350 : memref<8x128xf32, #tpu.memory_space<hbm>>) target_semaphore(%arg12 : memref<!tpu.dma_semaphore, #tpu.memory_space<semaphore_mem>>)
      %dma_start3A_354 = arith.constant 1 : i32
      %dma_start3A_355 = arith.constant 8 : i32
      %dma_start3A_356 = arith.constant 0 : i32
      %dma_start3A_357 = tpu.memref_slice %arg8[%dma_start3A_355, %dma_start3A_356] : memref<64x129xf32, #tpu.memory_space<vmem>> -> memref<8x128xf32, #tpu.memory_space<vmem>>
      %dma_start3A_358 = arith.constant 0 : i32
      %dma_start3A_359 = arith.constant 0 : i32
      %dma_start3A_360 = tpu.memref_slice %arg4[%select_n3A, %dma_start3A_354, %rem3A_338, %dma_start3A_358, %dma_start3A_359] : memref<50x8x32x8x128xf32, #tpu.memory_space<hbm>> -> memref<1x1x1x8x128xf32, #tpu.memory_space<hbm>>
      %dma_start3A_361 = tpu.memref_squeeze %dma_start3A_360 : memref<1x1x1x8x128xf32, #tpu.memory_space<hbm>> -> memref<8x128xf32, #tpu.memory_space<hbm>>
      %dma_start3A_362 = arith.constant 0 : i32
      %dma_start3A_363 = arith.constant 0 : i32
      %dma_start3A_364 = tpu.memref_slice %arg4[%select_n3A, %dma_start3A_354, %rem3A_338, %dma_start3A_362, %dma_start3A_363] : memref<50x8x32x8x128xf32, #tpu.memory_space<hbm>> -> memref<1x1x1x8x128xf32, #tpu.memory_space<hbm>>
      %dma_start3A_365 = tpu.memref_squeeze %dma_start3A_364 : memref<1x1x1x8x128xf32, #tpu.memory_space<hbm>> -> memref<8x128xf32, #tpu.memory_space<hbm>>
      %dma_start3A_366 = arith.constant 8 : i32
      %dma_start3A_367 = arith.constant 0 : i32
      %dma_start3A_368 = tpu.memref_slice %arg8[%dma_start3A_366, %dma_start3A_367] : memref<64x129xf32, #tpu.memory_space<vmem>> -> memref<8x128xf32, #tpu.memory_space<vmem>>
      tpu.enqueue_dma source(%dma_start3A_368 : memref<8x128xf32, #tpu.memory_space<vmem>>) target(%dma_start3A_365 : memref<8x128xf32, #tpu.memory_space<hbm>>) target_semaphore(%arg12 : memref<!tpu.dma_semaphore, #tpu.memory_space<semaphore_mem>>)
      %dma_start3A_369 = arith.constant 2 : i32
      %dma_start3A_370 = arith.constant 16 : i32
      %dma_start3A_371 = arith.constant 0 : i32
      %dma_start3A_372 = tpu.memref_slice %arg8[%dma_start3A_370, %dma_start3A_371] : memref<64x129xf32, #tpu.memory_space<vmem>> -> memref<8x128xf32, #tpu.memory_space<vmem>>
      %dma_start3A_373 = arith.constant 0 : i32
      %dma_start3A_374 = arith.constant 0 : i32
      %dma_start3A_375 = tpu.memref_slice %arg4[%select_n3A, %dma_start3A_369, %rem3A_338, %dma_start3A_373, %dma_start3A_374] : memref<50x8x32x8x128xf32, #tpu.memory_space<hbm>> -> memref<1x1x1x8x128xf32, #tpu.memory_space<hbm>>
      %dma_start3A_376 = tpu.memref_squeeze %dma_start3A_375 : memref<1x1x1x8x128xf32, #tpu.memory_space<hbm>> -> memref<8x128xf32, #tpu.memory_space<hbm>>
      %dma_start3A_377 = arith.constant 0 : i32
      %dma_start3A_378 = arith.constant 0 : i32
      %dma_start3A_379 = tpu.memref_slice %arg4[%select_n3A, %dma_start3A_369, %rem3A_338, %dma_start3A_377, %dma_start3A_378] : memref<50x8x32x8x128xf32, #tpu.memory_space<hbm>> -> memref<1x1x1x8x128xf32, #tpu.memory_space<hbm>>
      %dma_start3A_380 = tpu.memref_squeeze %dma_start3A_379 : memref<1x1x1x8x128xf32, #tpu.memory_space<hbm>> -> memref<8x128xf32, #tpu.memory_space<hbm>>
      %dma_start3A_381 = arith.constant 16 : i32
      %dma_start3A_382 = arith.constant 0 : i32
      %dma_start3A_383 = tpu.memref_slice %arg8[%dma_start3A_381, %dma_start3A_382] : memref<64x129xf32, #tpu.memory_space<vmem>> -> memref<8x128xf32, #tpu.memory_space<vmem>>
      tpu.enqueue_dma source(%dma_start3A_383 : memref<8x128xf32, #tpu.memory_space<vmem>>) target(%dma_start3A_380 : memref<8x128xf32, #tpu.memory_space<hbm>>) target_semaphore(%arg12 : memref<!tpu.dma_semaphore, #tpu.memory_space<semaphore_mem>>)
      %dma_start3A_384 = arith.constant 3 : i32
      %dma_start3A_385 = arith.constant 24 : i32
      %dma_start3A_386 = arith.constant 0 : i32
      %dma_start3A_387 = tpu.memref_slice %arg8[%dma_start3A_385, %dma_start3A_386] : memref<64x129xf32, #tpu.memory_space<vmem>> -> memref<8x128xf32, #tpu.memory_space<vmem>>
      %dma_start3A_388 = arith.constant 0 : i32
      %dma_start3A_389 = arith.constant 0 : i32
      %dma_start3A_390 = tpu.memref_slice %arg4[%select_n3A, %dma_start3A_384, %rem3A_338, %dma_start3A_388, %dma_start3A_389] : memref<50x8x32x8x128xf32, #tpu.memory_space<hbm>> -> memref<1x1x1x8x128xf32, #tpu.memory_space<hbm>>
      %dma_start3A_391 = tpu.memref_squeeze %dma_start3A_390 : memref<1x1x1x8x128xf32, #tpu.memory_space<hbm>> -> memref<8x128xf32, #tpu.memory_space<hbm>>
      %dma_start3A_392 = arith.constant 0 : i32
      %dma_start3A_393 = arith.constant 0 : i32
      %dma_start3A_394 = tpu.memref_slice %arg4[%select_n3A, %dma_start3A_384, %rem3A_338, %dma_start3A_392, %dma_start3A_393] : memref<50x8x32x8x128xf32, #tpu.memory_space<hbm>> -> memref<1x1x1x8x128xf32, #tpu.memory_space<hbm>>
      %dma_start3A_395 = tpu.memref_squeeze %dma_start3A_394 : memref<1x1x1x8x128xf32, #tpu.memory_space<hbm>> -> memref<8x128xf32, #tpu.memory_space<hbm>>
      %dma_start3A_396 = arith.constant 24 : i32
      %dma_start3A_397 = arith.constant 0 : i32
      %dma_start3A_398 = tpu.memref_slice %arg8[%dma_start3A_396, %dma_start3A_397] : memref<64x129xf32, #tpu.memory_space<vmem>> -> memref<8x128xf32, #tpu.memory_space<vmem>>
      tpu.enqueue_dma source(%dma_start3A_398 : memref<8x128xf32, #tpu.memory_space<vmem>>) target(%dma_start3A_395 : memref<8x128xf32, #tpu.memory_space<hbm>>) target_semaphore(%arg12 : memref<!tpu.dma_semaphore, #tpu.memory_space<semaphore_mem>>)
      %dma_start3A_399 = arith.constant 4 : i32
      %dma_start3A_400 = arith.constant 32 : i32
      %dma_start3A_401 = arith.constant 0 : i32
      %dma_start3A_402 = tpu.memref_slice %arg8[%dma_start3A_400, %dma_start3A_401] : memref<64x129xf32, #tpu.memory_space<vmem>> -> memref<8x128xf32, #tpu.memory_space<vmem>>
      %dma_start3A_403 = arith.constant 0 : i32
      %dma_start3A_404 = arith.constant 0 : i32
      %dma_start3A_405 = tpu.memref_slice %arg4[%select_n3A, %dma_start3A_399, %rem3A_338, %dma_start3A_403, %dma_start3A_404] : memref<50x8x32x8x128xf32, #tpu.memory_space<hbm>> -> memref<1x1x1x8x128xf32, #tpu.memory_space<hbm>>
      %dma_start3A_406 = tpu.memref_squeeze %dma_start3A_405 : memref<1x1x1x8x128xf32, #tpu.memory_space<hbm>> -> memref<8x128xf32, #tpu.memory_space<hbm>>
      %dma_start3A_407 = arith.constant 0 : i32
      %dma_start3A_408 = arith.constant 0 : i32
      %dma_start3A_409 = tpu.memref_slice %arg4[%select_n3A, %dma_start3A_399, %rem3A_338, %dma_start3A_407, %dma_start3A_408] : memref<50x8x32x8x128xf32, #tpu.memory_space<hbm>> -> memref<1x1x1x8x128xf32, #tpu.memory_space<hbm>>
      %dma_start3A_410 = tpu.memref_squeeze %dma_start3A_409 : memref<1x1x1x8x128xf32, #tpu.memory_space<hbm>> -> memref<8x128xf32, #tpu.memory_space<hbm>>
      %dma_start3A_411 = arith.constant 32 : i32
      %dma_start3A_412 = arith.constant 0 : i32
      %dma_start3A_413 = tpu.memref_slice %arg8[%dma_start3A_411, %dma_start3A_412] : memref<64x129xf32, #tpu.memory_space<vmem>> -> memref<8x128xf32, #tpu.memory_space<vmem>>
      tpu.enqueue_dma source(%dma_start3A_413 : memref<8x128xf32, #tpu.memory_space<vmem>>) target(%dma_start3A_410 : memref<8x128xf32, #tpu.memory_space<hbm>>) target_semaphore(%arg12 : memref<!tpu.dma_semaphore, #tpu.memory_space<semaphore_mem>>)
      %dma_start3A_414 = arith.constant 5 : i32
      %dma_start3A_415 = arith.constant 40 : i32
      %dma_start3A_416 = arith.constant 0 : i32
      %dma_start3A_417 = tpu.memref_slice %arg8[%dma_start3A_415, %dma_start3A_416] : memref<64x129xf32, #tpu.memory_space<vmem>> -> memref<8x128xf32, #tpu.memory_space<vmem>>
      %dma_start3A_418 = arith.constant 0 : i32
      %dma_start3A_419 = arith.constant 0 : i32
      %dma_start3A_420 = tpu.memref_slice %arg4[%select_n3A, %dma_start3A_414, %rem3A_338, %dma_start3A_418, %dma_start3A_419] : memref<50x8x32x8x128xf32, #tpu.memory_space<hbm>> -> memref<1x1x1x8x128xf32, #tpu.memory_space<hbm>>
      %dma_start3A_421 = tpu.memref_squeeze %dma_start3A_420 : memref<1x1x1x8x128xf32, #tpu.memory_space<hbm>> -> memref<8x128xf32, #tpu.memory_space<hbm>>
      %dma_start3A_422 = arith.constant 0 : i32
      %dma_start3A_423 = arith.constant 0 : i32
      %dma_start3A_424 = tpu.memref_slice %arg4[%select_n3A, %dma_start3A_414, %rem3A_338, %dma_start3A_422, %dma_start3A_423] : memref<50x8x32x8x128xf32, #tpu.memory_space<hbm>> -> memref<1x1x1x8x128xf32, #tpu.memory_space<hbm>>
      %dma_start3A_425 = tpu.memref_squeeze %dma_start3A_424 : memref<1x1x1x8x128xf32, #tpu.memory_space<hbm>> -> memref<8x128xf32, #tpu.memory_space<hbm>>
      %dma_start3A_426 = arith.constant 40 : i32
      %dma_start3A_427 = arith.constant 0 : i32
      %dma_start3A_428 = tpu.memref_slice %arg8[%dma_start3A_426, %dma_start3A_427] : memref<64x129xf32, #tpu.memory_space<vmem>> -> memref<8x128xf32, #tpu.memory_space<vmem>>
      tpu.enqueue_dma source(%dma_start3A_428 : memref<8x128xf32, #tpu.memory_space<vmem>>) target(%dma_start3A_425 : memref<8x128xf32, #tpu.memory_space<hbm>>) target_semaphore(%arg12 : memref<!tpu.dma_semaphore, #tpu.memory_space<semaphore_mem>>)
      %dma_start3A_429 = arith.constant 6 : i32
      %dma_start3A_430 = arith.constant 48 : i32
      %dma_start3A_431 = arith.constant 0 : i32
      %dma_start3A_432 = tpu.memref_slice %arg8[%dma_start3A_430, %dma_start3A_431] : memref<64x129xf32, #tpu.memory_space<vmem>> -> memref<8x128xf32, #tpu.memory_space<vmem>>
      %dma_start3A_433 = arith.constant 0 : i32
      %dma_start3A_434 = arith.constant 0 : i32
      %dma_start3A_435 = tpu.memref_slice %arg4[%select_n3A, %dma_start3A_429, %rem3A_338, %dma_start3A_433, %dma_start3A_434] : memref<50x8x32x8x128xf32, #tpu.memory_space<hbm>> -> memref<1x1x1x8x128xf32, #tpu.memory_space<hbm>>
      %dma_start3A_436 = tpu.memref_squeeze %dma_start3A_435 : memref<1x1x1x8x128xf32, #tpu.memory_space<hbm>> -> memref<8x128xf32, #tpu.memory_space<hbm>>
      %dma_start3A_437 = arith.constant 0 : i32
      %dma_start3A_438 = arith.constant 0 : i32
      %dma_start3A_439 = tpu.memref_slice %arg4[%select_n3A, %dma_start3A_429, %rem3A_338, %dma_start3A_437, %dma_start3A_438] : memref<50x8x32x8x128xf32, #tpu.memory_space<hbm>> -> memref<1x1x1x8x128xf32, #tpu.memory_space<hbm>>
      %dma_start3A_440 = tpu.memref_squeeze %dma_start3A_439 : memref<1x1x1x8x128xf32, #tpu.memory_space<hbm>> -> memref<8x128xf32, #tpu.memory_space<hbm>>
      %dma_start3A_441 = arith.constant 48 : i32
      %dma_start3A_442 = arith.constant 0 : i32
      %dma_start3A_443 = tpu.memref_slice %arg8[%dma_start3A_441, %dma_start3A_442] : memref<64x129xf32, #tpu.memory_space<vmem>> -> memref<8x128xf32, #tpu.memory_space<vmem>>
      tpu.enqueue_dma source(%dma_start3A_443 : memref<8x128xf32, #tpu.memory_space<vmem>>) target(%dma_start3A_440 : memref<8x128xf32, #tpu.memory_space<hbm>>) target_semaphore(%arg12 : memref<!tpu.dma_semaphore, #tpu.memory_space<semaphore_mem>>)
      %dma_start3A_444 = arith.constant 7 : i32
      %dma_start3A_445 = arith.constant 56 : i32
      %dma_start3A_446 = arith.constant 0 : i32
      %dma_start3A_447 = tpu.memref_slice %arg8[%dma_start3A_445, %dma_start3A_446] : memref<64x129xf32, #tpu.memory_space<vmem>> -> memref<8x128xf32, #tpu.memory_space<vmem>>
      %dma_start3A_448 = arith.constant 0 : i32
      %dma_start3A_449 = arith.constant 0 : i32
      %dma_start3A_450 = tpu.memref_slice %arg4[%select_n3A, %dma_start3A_444, %rem3A_338, %dma_start3A_448, %dma_start3A_449] : memref<50x8x32x8x128xf32, #tpu.memory_space<hbm>> -> memref<1x1x1x8x128xf32, #tpu.memory_space<hbm>>
      %dma_start3A_451 = tpu.memref_squeeze %dma_start3A_450 : memref<1x1x1x8x128xf32, #tpu.memory_space<hbm>> -> memref<8x128xf32, #tpu.memory_space<hbm>>
      %dma_start3A_452 = arith.constant 0 : i32
      %dma_start3A_453 = arith.constant 0 : i32
      %dma_start3A_454 = tpu.memref_slice %arg4[%select_n3A, %dma_start3A_444, %rem3A_338, %dma_start3A_452, %dma_start3A_453] : memref<50x8x32x8x128xf32, #tpu.memory_space<hbm>> -> memref<1x1x1x8x128xf32, #tpu.memory_space<hbm>>
      %dma_start3A_455 = tpu.memref_squeeze %dma_start3A_454 : memref<1x1x1x8x128xf32, #tpu.memory_space<hbm>> -> memref<8x128xf32, #tpu.memory_space<hbm>>
      %dma_start3A_456 = arith.constant 56 : i32
      %dma_start3A_457 = arith.constant 0 : i32
      %dma_start3A_458 = tpu.memref_slice %arg8[%dma_start3A_456, %dma_start3A_457] : memref<64x129xf32, #tpu.memory_space<vmem>> -> memref<8x128xf32, #tpu.memory_space<vmem>>
      tpu.enqueue_dma source(%dma_start3A_458 : memref<8x128xf32, #tpu.memory_space<vmem>>) target(%dma_start3A_455 : memref<8x128xf32, #tpu.memory_space<hbm>>) target_semaphore(%arg12 : memref<!tpu.dma_semaphore, #tpu.memory_space<semaphore_mem>>)
      %add3A_459 = arith.constant 2 : i32
      %add3A_460 = arith.addi %add3A_296, %add3A_459 : i32
      %lt3A = arith.constant 50 : i32
      %lt3A_461 = arith.cmpi slt, %add3A_460, %lt3A : i32
      %convert_element_type3A_462 = arith.extui %lt3A_461 : i1 to i32
      %cond3A_463 = arith.constant 0 : i32
      %cond3A_464 = arith.cmpi ne, %convert_element_type3A_462, %cond3A_463 : i32
      scf.if %cond3A_464 {
        %add3A_653 = arith.constant 2 : i32
        %add3A_654 = arith.addi %add3A_296, %add3A_653 : i32
        %mul3A_655 = arith.constant 128 : i32
        %mul3A_656 = arith.muli %add3A_654, %mul3A_655 : i32
        %dma_start3A_657 = tpu.memref_slice %arg5[%mul3A_656] : memref<6400xi32, #tpu.memory_space<vmem>> -> memref<128xi32, #tpu.memory_space<vmem>>
        %dma_start3A_658 = arith.constant 0 : i32
        %dma_start3A_659 = arith.constant 0 : i32
        %dma_start3A_660 = tpu.memref_slice %arg3[%dma_start3A_658, %dma_start3A_659] : memref<100000x64xf32, #tpu.memory_space<hbm>> -> memref<100000x64xf32, #tpu.memory_space<hbm>>
        tpu.enqueue_indirect_dma source(%dma_start3A_660 : memref<100000x64xf32, #tpu.memory_space<hbm>>) target(%arg6 : memref<128x64xf32, #tpu.memory_space<vmem>>) offsets(%dma_start3A_657 : memref<128xi32, #tpu.memory_space<vmem>>) semaphore(%arg10 : memref<!tpu.dma_semaphore, #tpu.memory_space<semaphore_mem>>)
      } else {
      }
      %mul3A_465 = arith.constant 2 : i32
      %mul3A_466 = arith.muli %mul3A_465, %scan3A_291 : i32
      %add3A_467 = arith.constant 1 : i32
      %add3A_468 = arith.addi %mul3A_466, %add3A_467 : i32
      %mul3A_469 = arith.constant 128 : i32
      %mul3A_470 = arith.muli %add3A_468, %mul3A_469 : i32
      %dma_wait3A_471 = tpu.memref_slice %arg5[%mul3A_470] : memref<6400xi32, #tpu.memory_space<vmem>> -> memref<128xi32, #tpu.memory_space<vmem>>
      %dma_wait3A_472 = arith.constant 0 : i32
      %dma_wait3A_473 = arith.constant 0 : i32
      %dma_wait3A_474 = tpu.memref_slice %arg3[%dma_wait3A_472, %dma_wait3A_473] : memref<100000x64xf32, #tpu.memory_space<hbm>> -> memref<100000x64xf32, #tpu.memory_space<hbm>>
      tpu.wait_indirect_dma semaphore(%arg11 : memref<!tpu.dma_semaphore, #tpu.memory_space<semaphore_mem>>) src(%dma_wait3A_474 : memref<100000x64xf32, #tpu.memory_space<hbm>>) dst(%arg7 : memref<128x64xf32, #tpu.memory_space<vmem>>)
      %ge3A_475 = arith.constant 2 : i32
      %ge3A_476 = arith.cmpi sge, %add3A_468, %ge3A_475 : i32
      %convert_element_type3A_477 = arith.extui %ge3A_476 : i1 to i32
      %cond3A_478 = arith.constant 0 : i32
      %cond3A_479 = arith.cmpi ne, %convert_element_type3A_477, %cond3A_478 : i32
      scf.if %cond3A_479 {
        %dma_wait3A_653 = arith.constant 0 : i32
        %dma_wait3A_654 = arith.constant 0 : i32
        %dma_wait3A_655 = arith.constant 0 : i32
        %dma_wait3A_656 = arith.constant 0 : i32
        %dma_wait3A_657 = arith.constant 0 : i32
        %dma_wait3A_658 = tpu.memref_slice %arg9[%dma_wait3A_656, %dma_wait3A_657] : memref<64x129xf32, #tpu.memory_space<vmem>> -> memref<8x128xf32, #tpu.memory_space<vmem>>
        %dma_wait3A_659 = arith.constant 0 : i32
        %dma_wait3A_660 = arith.constant 0 : i32
        %dma_wait3A_661 = tpu.memref_slice %arg4[%dma_wait3A_653, %dma_wait3A_654, %dma_wait3A_655, %dma_wait3A_659, %dma_wait3A_660] : memref<50x8x32x8x128xf32, #tpu.memory_space<hbm>> -> memref<1x1x1x8x128xf32, #tpu.memory_space<hbm>>
        %dma_wait3A_662 = tpu.memref_squeeze %dma_wait3A_661 : memref<1x1x1x8x128xf32, #tpu.memory_space<hbm>> -> memref<8x128xf32, #tpu.memory_space<hbm>>
        %dma_wait3A_663 = arith.constant 0 : i32
        %dma_wait3A_664 = arith.constant 0 : i32
        %dma_wait3A_665 = tpu.memref_slice %arg4[%dma_wait3A_653, %dma_wait3A_654, %dma_wait3A_655, %dma_wait3A_663, %dma_wait3A_664] : memref<50x8x32x8x128xf32, #tpu.memory_space<hbm>> -> memref<1x1x1x8x128xf32, #tpu.memory_space<hbm>>
        %dma_wait3A_666 = tpu.memref_squeeze %dma_wait3A_665 : memref<1x1x1x8x128xf32, #tpu.memory_space<hbm>> -> memref<8x128xf32, #tpu.memory_space<hbm>>
        %dma_wait3A_667 = arith.constant 0 : i32
        %dma_wait3A_668 = arith.constant 0 : i32
        %dma_wait3A_669 = tpu.memref_slice %arg9[%dma_wait3A_667, %dma_wait3A_668] : memref<64x129xf32, #tpu.memory_space<vmem>> -> memref<8x128xf32, #tpu.memory_space<vmem>>
        tpu.wait_dma2 semaphore(%arg13 : memref<!tpu.dma_semaphore, #tpu.memory_space<semaphore_mem>>) src(%dma_wait3A_669 : memref<8x128xf32, #tpu.memory_space<vmem>>) dst(%dma_wait3A_666 : memref<8x128xf32, #tpu.memory_space<hbm>>)
        %dma_wait3A_670 = arith.constant 0 : i32
        %dma_wait3A_671 = arith.constant 1 : i32
        %dma_wait3A_672 = arith.constant 0 : i32
        %dma_wait3A_673 = arith.constant 8 : i32
        %dma_wait3A_674 = arith.constant 0 : i32
        %dma_wait3A_675 = tpu.memref_slice %arg9[%dma_wait3A_673, %dma_wait3A_674] : memref<64x129xf32, #tpu.memory_space<vmem>> -> memref<8x128xf32, #tpu.memory_space<vmem>>
        %dma_wait3A_676 = arith.constant 0 : i32
        %dma_wait3A_677 = arith.constant 0 : i32
        %dma_wait3A_678 = tpu.memref_slice %arg4[%dma_wait3A_670, %dma_wait3A_671, %dma_wait3A_672, %dma_wait3A_676, %dma_wait3A_677] : memref<50x8x32x8x128xf32, #tpu.memory_space<hbm>> -> memref<1x1x1x8x128xf32, #tpu.memory_space<hbm>>
        %dma_wait3A_679 = tpu.memref_squeeze %dma_wait3A_678 : memref<1x1x1x8x128xf32, #tpu.memory_space<hbm>> -> memref<8x128xf32, #tpu.memory_space<hbm>>
        %dma_wait3A_680 = arith.constant 0 : i32
        %dma_wait3A_681 = arith.constant 0 : i32
        %dma_wait3A_682 = tpu.memref_slice %arg4[%dma_wait3A_670, %dma_wait3A_671, %dma_wait3A_672, %dma_wait3A_680, %dma_wait3A_681] : memref<50x8x32x8x128xf32, #tpu.memory_space<hbm>> -> memref<1x1x1x8x128xf32, #tpu.memory_space<hbm>>
        %dma_wait3A_683 = tpu.memref_squeeze %dma_wait3A_682 : memref<1x1x1x8x128xf32, #tpu.memory_space<hbm>> -> memref<8x128xf32, #tpu.memory_space<hbm>>
        %dma_wait3A_684 = arith.constant 8 : i32
        %dma_wait3A_685 = arith.constant 0 : i32
        %dma_wait3A_686 = tpu.memref_slice %arg9[%dma_wait3A_684, %dma_wait3A_685] : memref<64x129xf32, #tpu.memory_space<vmem>> -> memref<8x128xf32, #tpu.memory_space<vmem>>
        tpu.wait_dma2 semaphore(%arg13 : memref<!tpu.dma_semaphore, #tpu.memory_space<semaphore_mem>>) src(%dma_wait3A_686 : memref<8x128xf32, #tpu.memory_space<vmem>>) dst(%dma_wait3A_683 : memref<8x128xf32, #tpu.memory_space<hbm>>)
        %dma_wait3A_687 = arith.constant 0 : i32
        %dma_wait3A_688 = arith.constant 2 : i32
        %dma_wait3A_689 = arith.constant 0 : i32
        %dma_wait3A_690 = arith.constant 16 : i32
        %dma_wait3A_691 = arith.constant 0 : i32
        %dma_wait3A_692 = tpu.memref_slice %arg9[%dma_wait3A_690, %dma_wait3A_691] : memref<64x129xf32, #tpu.memory_space<vmem>> -> memref<8x128xf32, #tpu.memory_space<vmem>>
        %dma_wait3A_693 = arith.constant 0 : i32
        %dma_wait3A_694 = arith.constant 0 : i32
        %dma_wait3A_695 = tpu.memref_slice %arg4[%dma_wait3A_687, %dma_wait3A_688, %dma_wait3A_689, %dma_wait3A_693, %dma_wait3A_694] : memref<50x8x32x8x128xf32, #tpu.memory_space<hbm>> -> memref<1x1x1x8x128xf32, #tpu.memory_space<hbm>>
        %dma_wait3A_696 = tpu.memref_squeeze %dma_wait3A_695 : memref<1x1x1x8x128xf32, #tpu.memory_space<hbm>> -> memref<8x128xf32, #tpu.memory_space<hbm>>
        %dma_wait3A_697 = arith.constant 0 : i32
        %dma_wait3A_698 = arith.constant 0 : i32
        %dma_wait3A_699 = tpu.memref_slice %arg4[%dma_wait3A_687, %dma_wait3A_688, %dma_wait3A_689, %dma_wait3A_697, %dma_wait3A_698] : memref<50x8x32x8x128xf32, #tpu.memory_space<hbm>> -> memref<1x1x1x8x128xf32, #tpu.memory_space<hbm>>
        %dma_wait3A_700 = tpu.memref_squeeze %dma_wait3A_699 : memref<1x1x1x8x128xf32, #tpu.memory_space<hbm>> -> memref<8x128xf32, #tpu.memory_space<hbm>>
        %dma_wait3A_701 = arith.constant 16 : i32
        %dma_wait3A_702 = arith.constant 0 : i32
        %dma_wait3A_703 = tpu.memref_slice %arg9[%dma_wait3A_701, %dma_wait3A_702] : memref<64x129xf32, #tpu.memory_space<vmem>> -> memref<8x128xf32, #tpu.memory_space<vmem>>
        tpu.wait_dma2 semaphore(%arg13 : memref<!tpu.dma_semaphore, #tpu.memory_space<semaphore_mem>>) src(%dma_wait3A_703 : memref<8x128xf32, #tpu.memory_space<vmem>>) dst(%dma_wait3A_700 : memref<8x128xf32, #tpu.memory_space<hbm>>)
        %dma_wait3A_704 = arith.constant 0 : i32
        %dma_wait3A_705 = arith.constant 3 : i32
        %dma_wait3A_706 = arith.constant 0 : i32
        %dma_wait3A_707 = arith.constant 24 : i32
        %dma_wait3A_708 = arith.constant 0 : i32
        %dma_wait3A_709 = tpu.memref_slice %arg9[%dma_wait3A_707, %dma_wait3A_708] : memref<64x129xf32, #tpu.memory_space<vmem>> -> memref<8x128xf32, #tpu.memory_space<vmem>>
        %dma_wait3A_710 = arith.constant 0 : i32
        %dma_wait3A_711 = arith.constant 0 : i32
        %dma_wait3A_712 = tpu.memref_slice %arg4[%dma_wait3A_704, %dma_wait3A_705, %dma_wait3A_706, %dma_wait3A_710, %dma_wait3A_711] : memref<50x8x32x8x128xf32, #tpu.memory_space<hbm>> -> memref<1x1x1x8x128xf32, #tpu.memory_space<hbm>>
        %dma_wait3A_713 = tpu.memref_squeeze %dma_wait3A_712 : memref<1x1x1x8x128xf32, #tpu.memory_space<hbm>> -> memref<8x128xf32, #tpu.memory_space<hbm>>
        %dma_wait3A_714 = arith.constant 0 : i32
        %dma_wait3A_715 = arith.constant 0 : i32
        %dma_wait3A_716 = tpu.memref_slice %arg4[%dma_wait3A_704, %dma_wait3A_705, %dma_wait3A_706, %dma_wait3A_714, %dma_wait3A_715] : memref<50x8x32x8x128xf32, #tpu.memory_space<hbm>> -> memref<1x1x1x8x128xf32, #tpu.memory_space<hbm>>
        %dma_wait3A_717 = tpu.memref_squeeze %dma_wait3A_716 : memref<1x1x1x8x128xf32, #tpu.memory_space<hbm>> -> memref<8x128xf32, #tpu.memory_space<hbm>>
        %dma_wait3A_718 = arith.constant 24 : i32
        %dma_wait3A_719 = arith.constant 0 : i32
        %dma_wait3A_720 = tpu.memref_slice %arg9[%dma_wait3A_718, %dma_wait3A_719] : memref<64x129xf32, #tpu.memory_space<vmem>> -> memref<8x128xf32, #tpu.memory_space<vmem>>
        tpu.wait_dma2 semaphore(%arg13 : memref<!tpu.dma_semaphore, #tpu.memory_space<semaphore_mem>>) src(%dma_wait3A_720 : memref<8x128xf32, #tpu.memory_space<vmem>>) dst(%dma_wait3A_717 : memref<8x128xf32, #tpu.memory_space<hbm>>)
        %dma_wait3A_721 = arith.constant 0 : i32
        %dma_wait3A_722 = arith.constant 4 : i32
        %dma_wait3A_723 = arith.constant 0 : i32
        %dma_wait3A_724 = arith.constant 32 : i32
        %dma_wait3A_725 = arith.constant 0 : i32
        %dma_wait3A_726 = tpu.memref_slice %arg9[%dma_wait3A_724, %dma_wait3A_725] : memref<64x129xf32, #tpu.memory_space<vmem>> -> memref<8x128xf32, #tpu.memory_space<vmem>>
        %dma_wait3A_727 = arith.constant 0 : i32
        %dma_wait3A_728 = arith.constant 0 : i32
        %dma_wait3A_729 = tpu.memref_slice %arg4[%dma_wait3A_721, %dma_wait3A_722, %dma_wait3A_723, %dma_wait3A_727, %dma_wait3A_728] : memref<50x8x32x8x128xf32, #tpu.memory_space<hbm>> -> memref<1x1x1x8x128xf32, #tpu.memory_space<hbm>>
        %dma_wait3A_730 = tpu.memref_squeeze %dma_wait3A_729 : memref<1x1x1x8x128xf32, #tpu.memory_space<hbm>> -> memref<8x128xf32, #tpu.memory_space<hbm>>
        %dma_wait3A_731 = arith.constant 0 : i32
        %dma_wait3A_732 = arith.constant 0 : i32
        %dma_wait3A_733 = tpu.memref_slice %arg4[%dma_wait3A_721, %dma_wait3A_722, %dma_wait3A_723, %dma_wait3A_731, %dma_wait3A_732] : memref<50x8x32x8x128xf32, #tpu.memory_space<hbm>> -> memref<1x1x1x8x128xf32, #tpu.memory_space<hbm>>
        %dma_wait3A_734 = tpu.memref_squeeze %dma_wait3A_733 : memref<1x1x1x8x128xf32, #tpu.memory_space<hbm>> -> memref<8x128xf32, #tpu.memory_space<hbm>>
        %dma_wait3A_735 = arith.constant 32 : i32
        %dma_wait3A_736 = arith.constant 0 : i32
        %dma_wait3A_737 = tpu.memref_slice %arg9[%dma_wait3A_735, %dma_wait3A_736] : memref<64x129xf32, #tpu.memory_space<vmem>> -> memref<8x128xf32, #tpu.memory_space<vmem>>
        tpu.wait_dma2 semaphore(%arg13 : memref<!tpu.dma_semaphore, #tpu.memory_space<semaphore_mem>>) src(%dma_wait3A_737 : memref<8x128xf32, #tpu.memory_space<vmem>>) dst(%dma_wait3A_734 : memref<8x128xf32, #tpu.memory_space<hbm>>)
        %dma_wait3A_738 = arith.constant 0 : i32
        %dma_wait3A_739 = arith.constant 5 : i32
        %dma_wait3A_740 = arith.constant 0 : i32
        %dma_wait3A_741 = arith.constant 40 : i32
        %dma_wait3A_742 = arith.constant 0 : i32
        %dma_wait3A_743 = tpu.memref_slice %arg9[%dma_wait3A_741, %dma_wait3A_742] : memref<64x129xf32, #tpu.memory_space<vmem>> -> memref<8x128xf32, #tpu.memory_space<vmem>>
        %dma_wait3A_744 = arith.constant 0 : i32
        %dma_wait3A_745 = arith.constant 0 : i32
        %dma_wait3A_746 = tpu.memref_slice %arg4[%dma_wait3A_738, %dma_wait3A_739, %dma_wait3A_740, %dma_wait3A_744, %dma_wait3A_745] : memref<50x8x32x8x128xf32, #tpu.memory_space<hbm>> -> memref<1x1x1x8x128xf32, #tpu.memory_space<hbm>>
        %dma_wait3A_747 = tpu.memref_squeeze %dma_wait3A_746 : memref<1x1x1x8x128xf32, #tpu.memory_space<hbm>> -> memref<8x128xf32, #tpu.memory_space<hbm>>
        %dma_wait3A_748 = arith.constant 0 : i32
        %dma_wait3A_749 = arith.constant 0 : i32
        %dma_wait3A_750 = tpu.memref_slice %arg4[%dma_wait3A_738, %dma_wait3A_739, %dma_wait3A_740, %dma_wait3A_748, %dma_wait3A_749] : memref<50x8x32x8x128xf32, #tpu.memory_space<hbm>> -> memref<1x1x1x8x128xf32, #tpu.memory_space<hbm>>
        %dma_wait3A_751 = tpu.memref_squeeze %dma_wait3A_750 : memref<1x1x1x8x128xf32, #tpu.memory_space<hbm>> -> memref<8x128xf32, #tpu.memory_space<hbm>>
        %dma_wait3A_752 = arith.constant 40 : i32
        %dma_wait3A_753 = arith.constant 0 : i32
        %dma_wait3A_754 = tpu.memref_slice %arg9[%dma_wait3A_752, %dma_wait3A_753] : memref<64x129xf32, #tpu.memory_space<vmem>> -> memref<8x128xf32, #tpu.memory_space<vmem>>
        tpu.wait_dma2 semaphore(%arg13 : memref<!tpu.dma_semaphore, #tpu.memory_space<semaphore_mem>>) src(%dma_wait3A_754 : memref<8x128xf32, #tpu.memory_space<vmem>>) dst(%dma_wait3A_751 : memref<8x128xf32, #tpu.memory_space<hbm>>)
        %dma_wait3A_755 = arith.constant 0 : i32
        %dma_wait3A_756 = arith.constant 6 : i32
        %dma_wait3A_757 = arith.constant 0 : i32
        %dma_wait3A_758 = arith.constant 48 : i32
        %dma_wait3A_759 = arith.constant 0 : i32
        %dma_wait3A_760 = tpu.memref_slice %arg9[%dma_wait3A_758, %dma_wait3A_759] : memref<64x129xf32, #tpu.memory_space<vmem>> -> memref<8x128xf32, #tpu.memory_space<vmem>>
        %dma_wait3A_761 = arith.constant 0 : i32
        %dma_wait3A_762 = arith.constant 0 : i32
        %dma_wait3A_763 = tpu.memref_slice %arg4[%dma_wait3A_755, %dma_wait3A_756, %dma_wait3A_757, %dma_wait3A_761, %dma_wait3A_762] : memref<50x8x32x8x128xf32, #tpu.memory_space<hbm>> -> memref<1x1x1x8x128xf32, #tpu.memory_space<hbm>>
        %dma_wait3A_764 = tpu.memref_squeeze %dma_wait3A_763 : memref<1x1x1x8x128xf32, #tpu.memory_space<hbm>> -> memref<8x128xf32, #tpu.memory_space<hbm>>
        %dma_wait3A_765 = arith.constant 0 : i32
        %dma_wait3A_766 = arith.constant 0 : i32
        %dma_wait3A_767 = tpu.memref_slice %arg4[%dma_wait3A_755, %dma_wait3A_756, %dma_wait3A_757, %dma_wait3A_765, %dma_wait3A_766] : memref<50x8x32x8x128xf32, #tpu.memory_space<hbm>> -> memref<1x1x1x8x128xf32, #tpu.memory_space<hbm>>
        %dma_wait3A_768 = tpu.memref_squeeze %dma_wait3A_767 : memref<1x1x1x8x128xf32, #tpu.memory_space<hbm>> -> memref<8x128xf32, #tpu.memory_space<hbm>>
        %dma_wait3A_769 = arith.constant 48 : i32
        %dma_wait3A_770 = arith.constant 0 : i32
        %dma_wait3A_771 = tpu.memref_slice %arg9[%dma_wait3A_769, %dma_wait3A_770] : memref<64x129xf32, #tpu.memory_space<vmem>> -> memref<8x128xf32, #tpu.memory_space<vmem>>
        tpu.wait_dma2 semaphore(%arg13 : memref<!tpu.dma_semaphore, #tpu.memory_space<semaphore_mem>>) src(%dma_wait3A_771 : memref<8x128xf32, #tpu.memory_space<vmem>>) dst(%dma_wait3A_768 : memref<8x128xf32, #tpu.memory_space<hbm>>)
        %dma_wait3A_772 = arith.constant 0 : i32
        %dma_wait3A_773 = arith.constant 7 : i32
        %dma_wait3A_774 = arith.constant 0 : i32
        %dma_wait3A_775 = arith.constant 56 : i32
        %dma_wait3A_776 = arith.constant 0 : i32
        %dma_wait3A_777 = tpu.memref_slice %arg9[%dma_wait3A_775, %dma_wait3A_776] : memref<64x129xf32, #tpu.memory_space<vmem>> -> memref<8x128xf32, #tpu.memory_space<vmem>>
        %dma_wait3A_778 = arith.constant 0 : i32
        %dma_wait3A_779 = arith.constant 0 : i32
        %dma_wait3A_780 = tpu.memref_slice %arg4[%dma_wait3A_772, %dma_wait3A_773, %dma_wait3A_774, %dma_wait3A_778, %dma_wait3A_779] : memref<50x8x32x8x128xf32, #tpu.memory_space<hbm>> -> memref<1x1x1x8x128xf32, #tpu.memory_space<hbm>>
        %dma_wait3A_781 = tpu.memref_squeeze %dma_wait3A_780 : memref<1x1x1x8x128xf32, #tpu.memory_space<hbm>> -> memref<8x128xf32, #tpu.memory_space<hbm>>
        %dma_wait3A_782 = arith.constant 0 : i32
        %dma_wait3A_783 = arith.constant 0 : i32
        %dma_wait3A_784 = tpu.memref_slice %arg4[%dma_wait3A_772, %dma_wait3A_773, %dma_wait3A_774, %dma_wait3A_782, %dma_wait3A_783] : memref<50x8x32x8x128xf32, #tpu.memory_space<hbm>> -> memref<1x1x1x8x128xf32, #tpu.memory_space<hbm>>
        %dma_wait3A_785 = tpu.memref_squeeze %dma_wait3A_784 : memref<1x1x1x8x128xf32, #tpu.memory_space<hbm>> -> memref<8x128xf32, #tpu.memory_space<hbm>>
        %dma_wait3A_786 = arith.constant 56 : i32
        %dma_wait3A_787 = arith.constant 0 : i32
        %dma_wait3A_788 = tpu.memref_slice %arg9[%dma_wait3A_786, %dma_wait3A_787] : memref<64x129xf32, #tpu.memory_space<vmem>> -> memref<8x128xf32, #tpu.memory_space<vmem>>
        tpu.wait_dma2 semaphore(%arg13 : memref<!tpu.dma_semaphore, #tpu.memory_space<semaphore_mem>>) src(%dma_wait3A_788 : memref<8x128xf32, #tpu.memory_space<vmem>>) dst(%dma_wait3A_785 : memref<8x128xf32, #tpu.memory_space<hbm>>)
      } else {
      }
      %iota3A_480 = tpu.iota {dimensions = array<i32: 0>} : vector<16xi32>
      %add3A_481 = arith.constant 0 : i32
      %add3A_482 = vector.broadcast %add3A_481 : i32 to vector<16xi32>
      %add3A_483 = arith.addi %iota3A_480, %add3A_482 : vector<16xi32>
      %add3A_484 = arith.constant 16 : i32
      %add3A_485 = vector.broadcast %add3A_484 : i32 to vector<16xi32>
      %add3A_486 = arith.addi %iota3A_480, %add3A_485 : vector<16xi32>
      %add3A_487 = arith.constant 32 : i32
      %add3A_488 = vector.broadcast %add3A_487 : i32 to vector<16xi32>
      %add3A_489 = arith.addi %iota3A_480, %add3A_488 : vector<16xi32>
      %add3A_490 = arith.constant 48 : i32
      %add3A_491 = vector.broadcast %add3A_490 : i32 to vector<16xi32>
      %add3A_492 = arith.addi %iota3A_480, %add3A_491 : vector<16xi32>
      %broadcast_in_dim3A_493 = arith.constant 0 : i32
      %broadcast_in_dim3A_494 = vector.broadcast %broadcast_in_dim3A_493 : i32 to vector<16xi32>
      %parallel_loop3A_495 = arith.constant 0 : i32
      %parallel_loop3A_496 = arith.constant 128 : i32
      %parallel_loop3A_497 = arith.constant 1 : i32
      scf.for %parallel_loop3A_653 = %parallel_loop3A_495 to %parallel_loop3A_496 step %parallel_loop3A_497  : i32 {
        %parallel_loop3A_654 = vector.broadcast %parallel_loop3A_653 : i32 to vector<16xi32>
        %parallel_loop3A_655 = arith.addi %broadcast_in_dim3A_494, %parallel_loop3A_654 : vector<16xi32>
        %parallel_loop3A_656 = arith.index_cast %parallel_loop3A_653 : i32 to index
        %parallel_loop3A_657 = arith.constant 0 : index
        %parallel_loop3A_658 = tpu.vector_load %arg7[%parallel_loop3A_656, %parallel_loop3A_657] {strides = array<i32>} : memref<128x64xf32, #tpu.memory_space<vmem>>, vector<16xf32>,
        tpu.vector_store_idx %arg9[%add3A_483, %parallel_loop3A_655], %parallel_loop3A_658 : memref<64x129xf32, #tpu.memory_space<vmem>>[vector<16xi32>, vector<16xi32>], vector<16xf32>,
        %parallel_loop3A_659 = arith.index_cast %parallel_loop3A_653 : i32 to index
        %parallel_loop3A_660 = arith.constant 16 : index
        %parallel_loop3A_661 = tpu.vector_load %arg7[%parallel_loop3A_659, %parallel_loop3A_660] {strides = array<i32>} : memref<128x64xf32, #tpu.memory_space<vmem>>, vector<16xf32>,
        tpu.vector_store_idx %arg9[%add3A_486, %parallel_loop3A_655], %parallel_loop3A_661 : memref<64x129xf32, #tpu.memory_space<vmem>>[vector<16xi32>, vector<16xi32>], vector<16xf32>,
        %parallel_loop3A_662 = arith.index_cast %parallel_loop3A_653 : i32 to index
        %parallel_loop3A_663 = arith.constant 32 : index
        %parallel_loop3A_664 = tpu.vector_load %arg7[%parallel_loop3A_662, %parallel_loop3A_663] {strides = array<i32>} : memref<128x64xf32, #tpu.memory_space<vmem>>, vector<16xf32>,
        tpu.vector_store_idx %arg9[%add3A_489, %parallel_loop3A_655], %parallel_loop3A_664 : memref<64x129xf32, #tpu.memory_space<vmem>>[vector<16xi32>, vector<16xi32>], vector<16xf32>,
        %parallel_loop3A_665 = arith.index_cast %parallel_loop3A_653 : i32 to index
        %parallel_loop3A_666 = arith.constant 48 : index
        %parallel_loop3A_667 = tpu.vector_load %arg7[%parallel_loop3A_665, %parallel_loop3A_666] {strides = array<i32>} : memref<128x64xf32, #tpu.memory_space<vmem>>, vector<16xf32>,
        tpu.vector_store_idx %arg9[%add3A_492, %parallel_loop3A_655], %parallel_loop3A_667 : memref<64x129xf32, #tpu.memory_space<vmem>>[vector<16xi32>, vector<16xi32>], vector<16xf32>,
      } {sc.loop_unroll_factor = 8 : i64, sc.parallel_access}
      %add3A_498 = arith.addi %mul3A_2, %add3A_468 : i32
      %jit3A_499 = arith.constant 32 : i32
      %div3A_500 = arith.divsi %add3A_498, %jit3A_499 : i32
      %sign3A_501 = arith.constant 0 : i32
      %sign3A_502 = arith.cmpi sgt, %add3A_498, %sign3A_501 : i32
      %sign3A_503 = arith.extui %sign3A_502 : i1 to i32
      %sign3A_504 = arith.constant 0 : i32
      %sign3A_505 = arith.cmpi slt, %add3A_498, %sign3A_504 : i32
      %sign3A_506 = arith.extui %sign3A_505 : i1 to i32
      %sign3A_507 = arith.subi %sign3A_503, %sign3A_506 : i32
      %sign3A_508 = arith.constant 0 : i32
      %sign3A_509 = arith.cmpi sgt, %jit3A_499, %sign3A_508 : i32
      %sign3A_510 = arith.extui %sign3A_509 : i1 to i32
      %sign3A_511 = arith.constant 0 : i32
      %sign3A_512 = arith.cmpi slt, %jit3A_499, %sign3A_511 : i32
      %sign3A_513 = arith.extui %sign3A_512 : i1 to i32
      %sign3A_514 = arith.subi %sign3A_510, %sign3A_513 : i32
      %ne3A_515 = arith.cmpi ne, %sign3A_507, %sign3A_514 : i32
      %rem3A_516 = arith.remsi %add3A_498, %jit3A_499 : i32
      %ne3A_517 = arith.constant 0 : i32
      %ne3A_518 = arith.cmpi ne, %rem3A_516, %ne3A_517 : i32
      %and3A_519 = arith.andi %ne3A_515, %ne3A_518 : i1
      %sub3A_520 = arith.constant 1 : i32
      %sub3A_521 = arith.subi %div3A_500, %sub3A_520 : i32
      %select_n3A_522 = arith.select %and3A_519, %sub3A_521, %div3A_500 : i32
      %rem3A_523 = arith.constant 32 : i32
      %rem3A_524 = arith.remsi %add3A_498, %rem3A_523 : i32
      %dma_start3A_525 = arith.constant 0 : i32
      %dma_start3A_526 = arith.constant 0 : i32
      %dma_start3A_527 = arith.constant 0 : i32
      %dma_start3A_528 = tpu.memref_slice %arg9[%dma_start3A_526, %dma_start3A_527] : memref<64x129xf32, #tpu.memory_space<vmem>> -> memref<8x128xf32, #tpu.memory_space<vmem>>
      %dma_start3A_529 = arith.constant 0 : i32
      %dma_start3A_530 = arith.constant 0 : i32
      %dma_start3A_531 = tpu.memref_slice %arg4[%select_n3A_522, %dma_start3A_525, %rem3A_524, %dma_start3A_529, %dma_start3A_530] : memref<50x8x32x8x128xf32, #tpu.memory_space<hbm>> -> memref<1x1x1x8x128xf32, #tpu.memory_space<hbm>>
      %dma_start3A_532 = tpu.memref_squeeze %dma_start3A_531 : memref<1x1x1x8x128xf32, #tpu.memory_space<hbm>> -> memref<8x128xf32, #tpu.memory_space<hbm>>
      %dma_start3A_533 = arith.constant 0 : i32
      %dma_start3A_534 = arith.constant 0 : i32
      %dma_start3A_535 = tpu.memref_slice %arg4[%select_n3A_522, %dma_start3A_525, %rem3A_524, %dma_start3A_533, %dma_start3A_534] : memref<50x8x32x8x128xf32, #tpu.memory_space<hbm>> -> memref<1x1x1x8x128xf32, #tpu.memory_space<hbm>>
      %dma_start3A_536 = tpu.memref_squeeze %dma_start3A_535 : memref<1x1x1x8x128xf32, #tpu.memory_space<hbm>> -> memref<8x128xf32, #tpu.memory_space<hbm>>
      %dma_start3A_537 = arith.constant 0 : i32
      %dma_start3A_538 = arith.constant 0 : i32
      %dma_start3A_539 = tpu.memref_slice %arg9[%dma_start3A_537, %dma_start3A_538] : memref<64x129xf32, #tpu.memory_space<vmem>> -> memref<8x128xf32, #tpu.memory_space<vmem>>
      tpu.enqueue_dma source(%dma_start3A_539 : memref<8x128xf32, #tpu.memory_space<vmem>>) target(%dma_start3A_536 : memref<8x128xf32, #tpu.memory_space<hbm>>) target_semaphore(%arg13 : memref<!tpu.dma_semaphore, #tpu.memory_space<semaphore_mem>>)
      %dma_start3A_540 = arith.constant 1 : i32
      %dma_start3A_541 = arith.constant 8 : i32
      %dma_start3A_542 = arith.constant 0 : i32
      %dma_start3A_543 = tpu.memref_slice %arg9[%dma_start3A_541, %dma_start3A_542] : memref<64x129xf32, #tpu.memory_space<vmem>> -> memref<8x128xf32, #tpu.memory_space<vmem>>
      %dma_start3A_544 = arith.constant 0 : i32
      %dma_start3A_545 = arith.constant 0 : i32
      %dma_start3A_546 = tpu.memref_slice %arg4[%select_n3A_522, %dma_start3A_540, %rem3A_524, %dma_start3A_544, %dma_start3A_545] : memref<50x8x32x8x128xf32, #tpu.memory_space<hbm>> -> memref<1x1x1x8x128xf32, #tpu.memory_space<hbm>>
      %dma_start3A_547 = tpu.memref_squeeze %dma_start3A_546 : memref<1x1x1x8x128xf32, #tpu.memory_space<hbm>> -> memref<8x128xf32, #tpu.memory_space<hbm>>
      %dma_start3A_548 = arith.constant 0 : i32
      %dma_start3A_549 = arith.constant 0 : i32
      %dma_start3A_550 = tpu.memref_slice %arg4[%select_n3A_522, %dma_start3A_540, %rem3A_524, %dma_start3A_548, %dma_start3A_549] : memref<50x8x32x8x128xf32, #tpu.memory_space<hbm>> -> memref<1x1x1x8x128xf32, #tpu.memory_space<hbm>>
      %dma_start3A_551 = tpu.memref_squeeze %dma_start3A_550 : memref<1x1x1x8x128xf32, #tpu.memory_space<hbm>> -> memref<8x128xf32, #tpu.memory_space<hbm>>
      %dma_start3A_552 = arith.constant 8 : i32
      %dma_start3A_553 = arith.constant 0 : i32
      %dma_start3A_554 = tpu.memref_slice %arg9[%dma_start3A_552, %dma_start3A_553] : memref<64x129xf32, #tpu.memory_space<vmem>> -> memref<8x128xf32, #tpu.memory_space<vmem>>
      tpu.enqueue_dma source(%dma_start3A_554 : memref<8x128xf32, #tpu.memory_space<vmem>>) target(%dma_start3A_551 : memref<8x128xf32, #tpu.memory_space<hbm>>) target_semaphore(%arg13 : memref<!tpu.dma_semaphore, #tpu.memory_space<semaphore_mem>>)
      %dma_start3A_555 = arith.constant 2 : i32
      %dma_start3A_556 = arith.constant 16 : i32
      %dma_start3A_557 = arith.constant 0 : i32
      %dma_start3A_558 = tpu.memref_slice %arg9[%dma_start3A_556, %dma_start3A_557] : memref<64x129xf32, #tpu.memory_space<vmem>> -> memref<8x128xf32, #tpu.memory_space<vmem>>
      %dma_start3A_559 = arith.constant 0 : i32
      %dma_start3A_560 = arith.constant 0 : i32
      %dma_start3A_561 = tpu.memref_slice %arg4[%select_n3A_522, %dma_start3A_555, %rem3A_524, %dma_start3A_559, %dma_start3A_560] : memref<50x8x32x8x128xf32, #tpu.memory_space<hbm>> -> memref<1x1x1x8x128xf32, #tpu.memory_space<hbm>>
      %dma_start3A_562 = tpu.memref_squeeze %dma_start3A_561 : memref<1x1x1x8x128xf32, #tpu.memory_space<hbm>> -> memref<8x128xf32, #tpu.memory_space<hbm>>
      %dma_start3A_563 = arith.constant 0 : i32
      %dma_start3A_564 = arith.constant 0 : i32
      %dma_start3A_565 = tpu.memref_slice %arg4[%select_n3A_522, %dma_start3A_555, %rem3A_524, %dma_start3A_563, %dma_start3A_564] : memref<50x8x32x8x128xf32, #tpu.memory_space<hbm>> -> memref<1x1x1x8x128xf32, #tpu.memory_space<hbm>>
      %dma_start3A_566 = tpu.memref_squeeze %dma_start3A_565 : memref<1x1x1x8x128xf32, #tpu.memory_space<hbm>> -> memref<8x128xf32, #tpu.memory_space<hbm>>
      %dma_start3A_567 = arith.constant 16 : i32
      %dma_start3A_568 = arith.constant 0 : i32
      %dma_start3A_569 = tpu.memref_slice %arg9[%dma_start3A_567, %dma_start3A_568] : memref<64x129xf32, #tpu.memory_space<vmem>> -> memref<8x128xf32, #tpu.memory_space<vmem>>
      tpu.enqueue_dma source(%dma_start3A_569 : memref<8x128xf32, #tpu.memory_space<vmem>>) target(%dma_start3A_566 : memref<8x128xf32, #tpu.memory_space<hbm>>) target_semaphore(%arg13 : memref<!tpu.dma_semaphore, #tpu.memory_space<semaphore_mem>>)
      %dma_start3A_570 = arith.constant 3 : i32
      %dma_start3A_571 = arith.constant 24 : i32
      %dma_start3A_572 = arith.constant 0 : i32
      %dma_start3A_573 = tpu.memref_slice %arg9[%dma_start3A_571, %dma_start3A_572] : memref<64x129xf32, #tpu.memory_space<vmem>> -> memref<8x128xf32, #tpu.memory_space<vmem>>
      %dma_start3A_574 = arith.constant 0 : i32
      %dma_start3A_575 = arith.constant 0 : i32
      %dma_start3A_576 = tpu.memref_slice %arg4[%select_n3A_522, %dma_start3A_570, %rem3A_524, %dma_start3A_574, %dma_start3A_575] : memref<50x8x32x8x128xf32, #tpu.memory_space<hbm>> -> memref<1x1x1x8x128xf32, #tpu.memory_space<hbm>>
      %dma_start3A_577 = tpu.memref_squeeze %dma_start3A_576 : memref<1x1x1x8x128xf32, #tpu.memory_space<hbm>> -> memref<8x128xf32, #tpu.memory_space<hbm>>
      %dma_start3A_578 = arith.constant 0 : i32
      %dma_start3A_579 = arith.constant 0 : i32
      %dma_start3A_580 = tpu.memref_slice %arg4[%select_n3A_522, %dma_start3A_570, %rem3A_524, %dma_start3A_578, %dma_start3A_579] : memref<50x8x32x8x128xf32, #tpu.memory_space<hbm>> -> memref<1x1x1x8x128xf32, #tpu.memory_space<hbm>>
      %dma_start3A_581 = tpu.memref_squeeze %dma_start3A_580 : memref<1x1x1x8x128xf32, #tpu.memory_space<hbm>> -> memref<8x128xf32, #tpu.memory_space<hbm>>
      %dma_start3A_582 = arith.constant 24 : i32
      %dma_start3A_583 = arith.constant 0 : i32
      %dma_start3A_584 = tpu.memref_slice %arg9[%dma_start3A_582, %dma_start3A_583] : memref<64x129xf32, #tpu.memory_space<vmem>> -> memref<8x128xf32, #tpu.memory_space<vmem>>
      tpu.enqueue_dma source(%dma_start3A_584 : memref<8x128xf32, #tpu.memory_space<vmem>>) target(%dma_start3A_581 : memref<8x128xf32, #tpu.memory_space<hbm>>) target_semaphore(%arg13 : memref<!tpu.dma_semaphore, #tpu.memory_space<semaphore_mem>>)
      %dma_start3A_585 = arith.constant 4 : i32
      %dma_start3A_586 = arith.constant 32 : i32
      %dma_start3A_587 = arith.constant 0 : i32
      %dma_start3A_588 = tpu.memref_slice %arg9[%dma_start3A_586, %dma_start3A_587] : memref<64x129xf32, #tpu.memory_space<vmem>> -> memref<8x128xf32, #tpu.memory_space<vmem>>
      %dma_start3A_589 = arith.constant 0 : i32
      %dma_start3A_590 = arith.constant 0 : i32
      %dma_start3A_591 = tpu.memref_slice %arg4[%select_n3A_522, %dma_start3A_585, %rem3A_524, %dma_start3A_589, %dma_start3A_590] : memref<50x8x32x8x128xf32, #tpu.memory_space<hbm>> -> memref<1x1x1x8x128xf32, #tpu.memory_space<hbm>>
      %dma_start3A_592 = tpu.memref_squeeze %dma_start3A_591 : memref<1x1x1x8x128xf32, #tpu.memory_space<hbm>> -> memref<8x128xf32, #tpu.memory_space<hbm>>
      %dma_start3A_593 = arith.constant 0 : i32
      %dma_start3A_594 = arith.constant 0 : i32
      %dma_start3A_595 = tpu.memref_slice %arg4[%select_n3A_522, %dma_start3A_585, %rem3A_524, %dma_start3A_593, %dma_start3A_594] : memref<50x8x32x8x128xf32, #tpu.memory_space<hbm>> -> memref<1x1x1x8x128xf32, #tpu.memory_space<hbm>>
      %dma_start3A_596 = tpu.memref_squeeze %dma_start3A_595 : memref<1x1x1x8x128xf32, #tpu.memory_space<hbm>> -> memref<8x128xf32, #tpu.memory_space<hbm>>
      %dma_start3A_597 = arith.constant 32 : i32
      %dma_start3A_598 = arith.constant 0 : i32
      %dma_start3A_599 = tpu.memref_slice %arg9[%dma_start3A_597, %dma_start3A_598] : memref<64x129xf32, #tpu.memory_space<vmem>> -> memref<8x128xf32, #tpu.memory_space<vmem>>
      tpu.enqueue_dma source(%dma_start3A_599 : memref<8x128xf32, #tpu.memory_space<vmem>>) target(%dma_start3A_596 : memref<8x128xf32, #tpu.memory_space<hbm>>) target_semaphore(%arg13 : memref<!tpu.dma_semaphore, #tpu.memory_space<semaphore_mem>>)
      %dma_start3A_600 = arith.constant 5 : i32
      %dma_start3A_601 = arith.constant 40 : i32
      %dma_start3A_602 = arith.constant 0 : i32
      %dma_start3A_603 = tpu.memref_slice %arg9[%dma_start3A_601, %dma_start3A_602] : memref<64x129xf32, #tpu.memory_space<vmem>> -> memref<8x128xf32, #tpu.memory_space<vmem>>
      %dma_start3A_604 = arith.constant 0 : i32
      %dma_start3A_605 = arith.constant 0 : i32
      %dma_start3A_606 = tpu.memref_slice %arg4[%select_n3A_522, %dma_start3A_600, %rem3A_524, %dma_start3A_604, %dma_start3A_605] : memref<50x8x32x8x128xf32, #tpu.memory_space<hbm>> -> memref<1x1x1x8x128xf32, #tpu.memory_space<hbm>>
      %dma_start3A_607 = tpu.memref_squeeze %dma_start3A_606 : memref<1x1x1x8x128xf32, #tpu.memory_space<hbm>> -> memref<8x128xf32, #tpu.memory_space<hbm>>
      %dma_start3A_608 = arith.constant 0 : i32
      %dma_start3A_609 = arith.constant 0 : i32
      %dma_start3A_610 = tpu.memref_slice %arg4[%select_n3A_522, %dma_start3A_600, %rem3A_524, %dma_start3A_608, %dma_start3A_609] : memref<50x8x32x8x128xf32, #tpu.memory_space<hbm>> -> memref<1x1x1x8x128xf32, #tpu.memory_space<hbm>>
      %dma_start3A_611 = tpu.memref_squeeze %dma_start3A_610 : memref<1x1x1x8x128xf32, #tpu.memory_space<hbm>> -> memref<8x128xf32, #tpu.memory_space<hbm>>
      %dma_start3A_612 = arith.constant 40 : i32
      %dma_start3A_613 = arith.constant 0 : i32
      %dma_start3A_614 = tpu.memref_slice %arg9[%dma_start3A_612, %dma_start3A_613] : memref<64x129xf32, #tpu.memory_space<vmem>> -> memref<8x128xf32, #tpu.memory_space<vmem>>
      tpu.enqueue_dma source(%dma_start3A_614 : memref<8x128xf32, #tpu.memory_space<vmem>>) target(%dma_start3A_611 : memref<8x128xf32, #tpu.memory_space<hbm>>) target_semaphore(%arg13 : memref<!tpu.dma_semaphore, #tpu.memory_space<semaphore_mem>>)
      %dma_start3A_615 = arith.constant 6 : i32
      %dma_start3A_616 = arith.constant 48 : i32
      %dma_start3A_617 = arith.constant 0 : i32
      %dma_start3A_618 = tpu.memref_slice %arg9[%dma_start3A_616, %dma_start3A_617] : memref<64x129xf32, #tpu.memory_space<vmem>> -> memref<8x128xf32, #tpu.memory_space<vmem>>
      %dma_start3A_619 = arith.constant 0 : i32
      %dma_start3A_620 = arith.constant 0 : i32
      %dma_start3A_621 = tpu.memref_slice %arg4[%select_n3A_522, %dma_start3A_615, %rem3A_524, %dma_start3A_619, %dma_start3A_620] : memref<50x8x32x8x128xf32, #tpu.memory_space<hbm>> -> memref<1x1x1x8x128xf32, #tpu.memory_space<hbm>>
      %dma_start3A_622 = tpu.memref_squeeze %dma_start3A_621 : memref<1x1x1x8x128xf32, #tpu.memory_space<hbm>> -> memref<8x128xf32, #tpu.memory_space<hbm>>
      %dma_start3A_623 = arith.constant 0 : i32
      %dma_start3A_624 = arith.constant 0 : i32
      %dma_start3A_625 = tpu.memref_slice %arg4[%select_n3A_522, %dma_start3A_615, %rem3A_524, %dma_start3A_623, %dma_start3A_624] : memref<50x8x32x8x128xf32, #tpu.memory_space<hbm>> -> memref<1x1x1x8x128xf32, #tpu.memory_space<hbm>>
      %dma_start3A_626 = tpu.memref_squeeze %dma_start3A_625 : memref<1x1x1x8x128xf32, #tpu.memory_space<hbm>> -> memref<8x128xf32, #tpu.memory_space<hbm>>
      %dma_start3A_627 = arith.constant 48 : i32
      %dma_start3A_628 = arith.constant 0 : i32
      %dma_start3A_629 = tpu.memref_slice %arg9[%dma_start3A_627, %dma_start3A_628] : memref<64x129xf32, #tpu.memory_space<vmem>> -> memref<8x128xf32, #tpu.memory_space<vmem>>
      tpu.enqueue_dma source(%dma_start3A_629 : memref<8x128xf32, #tpu.memory_space<vmem>>) target(%dma_start3A_626 : memref<8x128xf32, #tpu.memory_space<hbm>>) target_semaphore(%arg13 : memref<!tpu.dma_semaphore, #tpu.memory_space<semaphore_mem>>)
      %dma_start3A_630 = arith.constant 7 : i32
      %dma_start3A_631 = arith.constant 56 : i32
      %dma_start3A_632 = arith.constant 0 : i32
      %dma_start3A_633 = tpu.memref_slice %arg9[%dma_start3A_631, %dma_start3A_632] : memref<64x129xf32, #tpu.memory_space<vmem>> -> memref<8x128xf32, #tpu.memory_space<vmem>>
      %dma_start3A_634 = arith.constant 0 : i32
      %dma_start3A_635 = arith.constant 0 : i32
      %dma_start3A_636 = tpu.memref_slice %arg4[%select_n3A_522, %dma_start3A_630, %rem3A_524, %dma_start3A_634, %dma_start3A_635] : memref<50x8x32x8x128xf32, #tpu.memory_space<hbm>> -> memref<1x1x1x8x128xf32, #tpu.memory_space<hbm>>
      %dma_start3A_637 = tpu.memref_squeeze %dma_start3A_636 : memref<1x1x1x8x128xf32, #tpu.memory_space<hbm>> -> memref<8x128xf32, #tpu.memory_space<hbm>>
      %dma_start3A_638 = arith.constant 0 : i32
      %dma_start3A_639 = arith.constant 0 : i32
      %dma_start3A_640 = tpu.memref_slice %arg4[%select_n3A_522, %dma_start3A_630, %rem3A_524, %dma_start3A_638, %dma_start3A_639] : memref<50x8x32x8x128xf32, #tpu.memory_space<hbm>> -> memref<1x1x1x8x128xf32, #tpu.memory_space<hbm>>
      %dma_start3A_641 = tpu.memref_squeeze %dma_start3A_640 : memref<1x1x1x8x128xf32, #tpu.memory_space<hbm>> -> memref<8x128xf32, #tpu.memory_space<hbm>>
      %dma_start3A_642 = arith.constant 56 : i32
      %dma_start3A_643 = arith.constant 0 : i32
      %dma_start3A_644 = tpu.memref_slice %arg9[%dma_start3A_642, %dma_start3A_643] : memref<64x129xf32, #tpu.memory_space<vmem>> -> memref<8x128xf32, #tpu.memory_space<vmem>>
      tpu.enqueue_dma source(%dma_start3A_644 : memref<8x128xf32, #tpu.memory_space<vmem>>) target(%dma_start3A_641 : memref<8x128xf32, #tpu.memory_space<hbm>>) target_semaphore(%arg13 : memref<!tpu.dma_semaphore, #tpu.memory_space<semaphore_mem>>)
      %add3A_645 = arith.constant 2 : i32
      %add3A_646 = arith.addi %add3A_468, %add3A_645 : i32
      %lt3A_647 = arith.constant 50 : i32
      %lt3A_648 = arith.cmpi slt, %add3A_646, %lt3A_647 : i32
      %convert_element_type3A_649 = arith.extui %lt3A_648 : i1 to i32
      %cond3A_650 = arith.constant 0 : i32
      %cond3A_651 = arith.cmpi ne, %convert_element_type3A_649, %cond3A_650 : i32
      scf.if %cond3A_651 {
        %add3A_653 = arith.constant 2 : i32
        %add3A_654 = arith.addi %add3A_468, %add3A_653 : i32
        %mul3A_655 = arith.constant 128 : i32
        %mul3A_656 = arith.muli %add3A_654, %mul3A_655 : i32
        %dma_start3A_657 = tpu.memref_slice %arg5[%mul3A_656] : memref<6400xi32, #tpu.memory_space<vmem>> -> memref<128xi32, #tpu.memory_space<vmem>>
        %dma_start3A_658 = arith.constant 0 : i32
        %dma_start3A_659 = arith.constant 0 : i32
        %dma_start3A_660 = tpu.memref_slice %arg3[%dma_start3A_658, %dma_start3A_659] : memref<100000x64xf32, #tpu.memory_space<hbm>> -> memref<100000x64xf32, #tpu.memory_space<hbm>>
        tpu.enqueue_indirect_dma source(%dma_start3A_660 : memref<100000x64xf32, #tpu.memory_space<hbm>>) target(%arg7 : memref<128x64xf32, #tpu.memory_space<vmem>>) offsets(%dma_start3A_657 : memref<128xi32, #tpu.memory_space<vmem>>) semaphore(%arg11 : memref<!tpu.dma_semaphore, #tpu.memory_space<semaphore_mem>>)
      } else {
      }
      %scan3A_652 = arith.constant 0 : i32
      scf.yield %scan3A_652 : i32
    }
    %scan3A_19 = arith.constant 25 : i32
    %dma_wait3A = arith.constant 0 : i32
    %dma_wait3A_20 = arith.constant 0 : i32
    %dma_wait3A_21 = arith.constant 0 : i32
    %dma_wait3A_22 = arith.constant 0 : i32
    %dma_wait3A_23 = arith.constant 0 : i32
    %dma_wait3A_24 = tpu.memref_slice %arg8[%dma_wait3A_22, %dma_wait3A_23] : memref<64x129xf32, #tpu.memory_space<vmem>> -> memref<8x128xf32, #tpu.memory_space<vmem>>
    %dma_wait3A_25 = arith.constant 0 : i32
    %dma_wait3A_26 = arith.constant 0 : i32
    %dma_wait3A_27 = tpu.memref_slice %arg4[%dma_wait3A, %dma_wait3A_20, %dma_wait3A_21, %dma_wait3A_25, %dma_wait3A_26] : memref<50x8x32x8x128xf32, #tpu.memory_space<hbm>> -> memref<1x1x1x8x128xf32, #tpu.memory_space<hbm>>
    %dma_wait3A_28 = tpu.memref_squeeze %dma_wait3A_27 : memref<1x1x1x8x128xf32, #tpu.memory_space<hbm>> -> memref<8x128xf32, #tpu.memory_space<hbm>>
    %dma_wait3A_29 = arith.constant 0 : i32
    %dma_wait3A_30 = arith.constant 0 : i32
    %dma_wait3A_31 = tpu.memref_slice %arg4[%dma_wait3A, %dma_wait3A_20, %dma_wait3A_21, %dma_wait3A_29, %dma_wait3A_30] : memref<50x8x32x8x128xf32, #tpu.memory_space<hbm>> -> memref<1x1x1x8x128xf32, #tpu.memory_space<hbm>>
    %dma_wait3A_32 = tpu.memref_squeeze %dma_wait3A_31 : memref<1x1x1x8x128xf32, #tpu.memory_space<hbm>> -> memref<8x128xf32, #tpu.memory_space<hbm>>
    %dma_wait3A_33 = arith.constant 0 : i32
    %dma_wait3A_34 = arith.constant 0 : i32
    %dma_wait3A_35 = tpu.memref_slice %arg8[%dma_wait3A_33, %dma_wait3A_34] : memref<64x129xf32, #tpu.memory_space<vmem>> -> memref<8x128xf32, #tpu.memory_space<vmem>>
    tpu.wait_dma2 semaphore(%arg12 : memref<!tpu.dma_semaphore, #tpu.memory_space<semaphore_mem>>) src(%dma_wait3A_35 : memref<8x128xf32, #tpu.memory_space<vmem>>) dst(%dma_wait3A_32 : memref<8x128xf32, #tpu.memory_space<hbm>>)
    %dma_wait3A_36 = arith.constant 0 : i32
    %dma_wait3A_37 = arith.constant 1 : i32
    %dma_wait3A_38 = arith.constant 0 : i32
    %dma_wait3A_39 = arith.constant 8 : i32
    %dma_wait3A_40 = arith.constant 0 : i32
    %dma_wait3A_41 = tpu.memref_slice %arg8[%dma_wait3A_39, %dma_wait3A_40] : memref<64x129xf32, #tpu.memory_space<vmem>> -> memref<8x128xf32, #tpu.memory_space<vmem>>
    %dma_wait3A_42 = arith.constant 0 : i32
    %dma_wait3A_43 = arith.constant 0 : i32
    %dma_wait3A_44 = tpu.memref_slice %arg4[%dma_wait3A_36, %dma_wait3A_37, %dma_wait3A_38, %dma_wait3A_42, %dma_wait3A_43] : memref<50x8x32x8x128xf32, #tpu.memory_space<hbm>> -> memref<1x1x1x8x128xf32, #tpu.memory_space<hbm>>
    %dma_wait3A_45 = tpu.memref_squeeze %dma_wait3A_44 : memref<1x1x1x8x128xf32, #tpu.memory_space<hbm>> -> memref<8x128xf32, #tpu.memory_space<hbm>>
    %dma_wait3A_46 = arith.constant 0 : i32
    %dma_wait3A_47 = arith.constant 0 : i32
    %dma_wait3A_48 = tpu.memref_slice %arg4[%dma_wait3A_36, %dma_wait3A_37, %dma_wait3A_38, %dma_wait3A_46, %dma_wait3A_47] : memref<50x8x32x8x128xf32, #tpu.memory_space<hbm>> -> memref<1x1x1x8x128xf32, #tpu.memory_space<hbm>>
    %dma_wait3A_49 = tpu.memref_squeeze %dma_wait3A_48 : memref<1x1x1x8x128xf32, #tpu.memory_space<hbm>> -> memref<8x128xf32, #tpu.memory_space<hbm>>
    %dma_wait3A_50 = arith.constant 8 : i32
    %dma_wait3A_51 = arith.constant 0 : i32
    %dma_wait3A_52 = tpu.memref_slice %arg8[%dma_wait3A_50, %dma_wait3A_51] : memref<64x129xf32, #tpu.memory_space<vmem>> -> memref<8x128xf32, #tpu.memory_space<vmem>>
    tpu.wait_dma2 semaphore(%arg12 : memref<!tpu.dma_semaphore, #tpu.memory_space<semaphore_mem>>) src(%dma_wait3A_52 : memref<8x128xf32, #tpu.memory_space<vmem>>) dst(%dma_wait3A_49 : memref<8x128xf32, #tpu.memory_space<hbm>>)
    %dma_wait3A_53 = arith.constant 0 : i32
    %dma_wait3A_54 = arith.constant 2 : i32
    %dma_wait3A_55 = arith.constant 0 : i32
    %dma_wait3A_56 = arith.constant 16 : i32
    %dma_wait3A_57 = arith.constant 0 : i32
    %dma_wait3A_58 = tpu.memref_slice %arg8[%dma_wait3A_56, %dma_wait3A_57] : memref<64x129xf32, #tpu.memory_space<vmem>> -> memref<8x128xf32, #tpu.memory_space<vmem>>
    %dma_wait3A_59 = arith.constant 0 : i32
    %dma_wait3A_60 = arith.constant 0 : i32
    %dma_wait3A_61 = tpu.memref_slice %arg4[%dma_wait3A_53, %dma_wait3A_54, %dma_wait3A_55, %dma_wait3A_59, %dma_wait3A_60] : memref<50x8x32x8x128xf32, #tpu.memory_space<hbm>> -> memref<1x1x1x8x128xf32, #tpu.memory_space<hbm>>
    %dma_wait3A_62 = tpu.memref_squeeze %dma_wait3A_61 : memref<1x1x1x8x128xf32, #tpu.memory_space<hbm>> -> memref<8x128xf32, #tpu.memory_space<hbm>>
    %dma_wait3A_63 = arith.constant 0 : i32
    %dma_wait3A_64 = arith.constant 0 : i32
    %dma_wait3A_65 = tpu.memref_slice %arg4[%dma_wait3A_53, %dma_wait3A_54, %dma_wait3A_55, %dma_wait3A_63, %dma_wait3A_64] : memref<50x8x32x8x128xf32, #tpu.memory_space<hbm>> -> memref<1x1x1x8x128xf32, #tpu.memory_space<hbm>>
    %dma_wait3A_66 = tpu.memref_squeeze %dma_wait3A_65 : memref<1x1x1x8x128xf32, #tpu.memory_space<hbm>> -> memref<8x128xf32, #tpu.memory_space<hbm>>
    %dma_wait3A_67 = arith.constant 16 : i32
    %dma_wait3A_68 = arith.constant 0 : i32
    %dma_wait3A_69 = tpu.memref_slice %arg8[%dma_wait3A_67, %dma_wait3A_68] : memref<64x129xf32, #tpu.memory_space<vmem>> -> memref<8x128xf32, #tpu.memory_space<vmem>>
    tpu.wait_dma2 semaphore(%arg12 : memref<!tpu.dma_semaphore, #tpu.memory_space<semaphore_mem>>) src(%dma_wait3A_69 : memref<8x128xf32, #tpu.memory_space<vmem>>) dst(%dma_wait3A_66 : memref<8x128xf32, #tpu.memory_space<hbm>>)
    %dma_wait3A_70 = arith.constant 0 : i32
    %dma_wait3A_71 = arith.constant 3 : i32
    %dma_wait3A_72 = arith.constant 0 : i32
    %dma_wait3A_73 = arith.constant 24 : i32
    %dma_wait3A_74 = arith.constant 0 : i32
    %dma_wait3A_75 = tpu.memref_slice %arg8[%dma_wait3A_73, %dma_wait3A_74] : memref<64x129xf32, #tpu.memory_space<vmem>> -> memref<8x128xf32, #tpu.memory_space<vmem>>
    %dma_wait3A_76 = arith.constant 0 : i32
    %dma_wait3A_77 = arith.constant 0 : i32
    %dma_wait3A_78 = tpu.memref_slice %arg4[%dma_wait3A_70, %dma_wait3A_71, %dma_wait3A_72, %dma_wait3A_76, %dma_wait3A_77] : memref<50x8x32x8x128xf32, #tpu.memory_space<hbm>> -> memref<1x1x1x8x128xf32, #tpu.memory_space<hbm>>
    %dma_wait3A_79 = tpu.memref_squeeze %dma_wait3A_78 : memref<1x1x1x8x128xf32, #tpu.memory_space<hbm>> -> memref<8x128xf32, #tpu.memory_space<hbm>>
    %dma_wait3A_80 = arith.constant 0 : i32
    %dma_wait3A_81 = arith.constant 0 : i32
    %dma_wait3A_82 = tpu.memref_slice %arg4[%dma_wait3A_70, %dma_wait3A_71, %dma_wait3A_72, %dma_wait3A_80, %dma_wait3A_81] : memref<50x8x32x8x128xf32, #tpu.memory_space<hbm>> -> memref<1x1x1x8x128xf32, #tpu.memory_space<hbm>>
    %dma_wait3A_83 = tpu.memref_squeeze %dma_wait3A_82 : memref<1x1x1x8x128xf32, #tpu.memory_space<hbm>> -> memref<8x128xf32, #tpu.memory_space<hbm>>
    %dma_wait3A_84 = arith.constant 24 : i32
    %dma_wait3A_85 = arith.constant 0 : i32
    %dma_wait3A_86 = tpu.memref_slice %arg8[%dma_wait3A_84, %dma_wait3A_85] : memref<64x129xf32, #tpu.memory_space<vmem>> -> memref<8x128xf32, #tpu.memory_space<vmem>>
    tpu.wait_dma2 semaphore(%arg12 : memref<!tpu.dma_semaphore, #tpu.memory_space<semaphore_mem>>) src(%dma_wait3A_86 : memref<8x128xf32, #tpu.memory_space<vmem>>) dst(%dma_wait3A_83 : memref<8x128xf32, #tpu.memory_space<hbm>>)
    %dma_wait3A_87 = arith.constant 0 : i32
    %dma_wait3A_88 = arith.constant 4 : i32
    %dma_wait3A_89 = arith.constant 0 : i32
    %dma_wait3A_90 = arith.constant 32 : i32
    %dma_wait3A_91 = arith.constant 0 : i32
    %dma_wait3A_92 = tpu.memref_slice %arg8[%dma_wait3A_90, %dma_wait3A_91] : memref<64x129xf32, #tpu.memory_space<vmem>> -> memref<8x128xf32, #tpu.memory_space<vmem>>
    %dma_wait3A_93 = arith.constant 0 : i32
    %dma_wait3A_94 = arith.constant 0 : i32
    %dma_wait3A_95 = tpu.memref_slice %arg4[%dma_wait3A_87, %dma_wait3A_88, %dma_wait3A_89, %dma_wait3A_93, %dma_wait3A_94] : memref<50x8x32x8x128xf32, #tpu.memory_space<hbm>> -> memref<1x1x1x8x128xf32, #tpu.memory_space<hbm>>
    %dma_wait3A_96 = tpu.memref_squeeze %dma_wait3A_95 : memref<1x1x1x8x128xf32, #tpu.memory_space<hbm>> -> memref<8x128xf32, #tpu.memory_space<hbm>>
    %dma_wait3A_97 = arith.constant 0 : i32
    %dma_wait3A_98 = arith.constant 0 : i32
    %dma_wait3A_99 = tpu.memref_slice %arg4[%dma_wait3A_87, %dma_wait3A_88, %dma_wait3A_89, %dma_wait3A_97, %dma_wait3A_98] : memref<50x8x32x8x128xf32, #tpu.memory_space<hbm>> -> memref<1x1x1x8x128xf32, #tpu.memory_space<hbm>>
    %dma_wait3A_100 = tpu.memref_squeeze %dma_wait3A_99 : memref<1x1x1x8x128xf32, #tpu.memory_space<hbm>> -> memref<8x128xf32, #tpu.memory_space<hbm>>
    %dma_wait3A_101 = arith.constant 32 : i32
    %dma_wait3A_102 = arith.constant 0 : i32
    %dma_wait3A_103 = tpu.memref_slice %arg8[%dma_wait3A_101, %dma_wait3A_102] : memref<64x129xf32, #tpu.memory_space<vmem>> -> memref<8x128xf32, #tpu.memory_space<vmem>>
    tpu.wait_dma2 semaphore(%arg12 : memref<!tpu.dma_semaphore, #tpu.memory_space<semaphore_mem>>) src(%dma_wait3A_103 : memref<8x128xf32, #tpu.memory_space<vmem>>) dst(%dma_wait3A_100 : memref<8x128xf32, #tpu.memory_space<hbm>>)
    %dma_wait3A_104 = arith.constant 0 : i32
    %dma_wait3A_105 = arith.constant 5 : i32
    %dma_wait3A_106 = arith.constant 0 : i32
    %dma_wait3A_107 = arith.constant 40 : i32
    %dma_wait3A_108 = arith.constant 0 : i32
    %dma_wait3A_109 = tpu.memref_slice %arg8[%dma_wait3A_107, %dma_wait3A_108] : memref<64x129xf32, #tpu.memory_space<vmem>> -> memref<8x128xf32, #tpu.memory_space<vmem>>
    %dma_wait3A_110 = arith.constant 0 : i32
    %dma_wait3A_111 = arith.constant 0 : i32
    %dma_wait3A_112 = tpu.memref_slice %arg4[%dma_wait3A_104, %dma_wait3A_105, %dma_wait3A_106, %dma_wait3A_110, %dma_wait3A_111] : memref<50x8x32x8x128xf32, #tpu.memory_space<hbm>> -> memref<1x1x1x8x128xf32, #tpu.memory_space<hbm>>
    %dma_wait3A_113 = tpu.memref_squeeze %dma_wait3A_112 : memref<1x1x1x8x128xf32, #tpu.memory_space<hbm>> -> memref<8x128xf32, #tpu.memory_space<hbm>>
    %dma_wait3A_114 = arith.constant 0 : i32
    %dma_wait3A_115 = arith.constant 0 : i32
    %dma_wait3A_116 = tpu.memref_slice %arg4[%dma_wait3A_104, %dma_wait3A_105, %dma_wait3A_106, %dma_wait3A_114, %dma_wait3A_115] : memref<50x8x32x8x128xf32, #tpu.memory_space<hbm>> -> memref<1x1x1x8x128xf32, #tpu.memory_space<hbm>>
    %dma_wait3A_117 = tpu.memref_squeeze %dma_wait3A_116 : memref<1x1x1x8x128xf32, #tpu.memory_space<hbm>> -> memref<8x128xf32, #tpu.memory_space<hbm>>
    %dma_wait3A_118 = arith.constant 40 : i32
    %dma_wait3A_119 = arith.constant 0 : i32
    %dma_wait3A_120 = tpu.memref_slice %arg8[%dma_wait3A_118, %dma_wait3A_119] : memref<64x129xf32, #tpu.memory_space<vmem>> -> memref<8x128xf32, #tpu.memory_space<vmem>>
    tpu.wait_dma2 semaphore(%arg12 : memref<!tpu.dma_semaphore, #tpu.memory_space<semaphore_mem>>) src(%dma_wait3A_120 : memref<8x128xf32, #tpu.memory_space<vmem>>) dst(%dma_wait3A_117 : memref<8x128xf32, #tpu.memory_space<hbm>>)
    %dma_wait3A_121 = arith.constant 0 : i32
    %dma_wait3A_122 = arith.constant 6 : i32
    %dma_wait3A_123 = arith.constant 0 : i32
    %dma_wait3A_124 = arith.constant 48 : i32
    %dma_wait3A_125 = arith.constant 0 : i32
    %dma_wait3A_126 = tpu.memref_slice %arg8[%dma_wait3A_124, %dma_wait3A_125] : memref<64x129xf32, #tpu.memory_space<vmem>> -> memref<8x128xf32, #tpu.memory_space<vmem>>
    %dma_wait3A_127 = arith.constant 0 : i32
    %dma_wait3A_128 = arith.constant 0 : i32
    %dma_wait3A_129 = tpu.memref_slice %arg4[%dma_wait3A_121, %dma_wait3A_122, %dma_wait3A_123, %dma_wait3A_127, %dma_wait3A_128] : memref<50x8x32x8x128xf32, #tpu.memory_space<hbm>> -> memref<1x1x1x8x128xf32, #tpu.memory_space<hbm>>
    %dma_wait3A_130 = tpu.memref_squeeze %dma_wait3A_129 : memref<1x1x1x8x128xf32, #tpu.memory_space<hbm>> -> memref<8x128xf32, #tpu.memory_space<hbm>>
    %dma_wait3A_131 = arith.constant 0 : i32
    %dma_wait3A_132 = arith.constant 0 : i32
    %dma_wait3A_133 = tpu.memref_slice %arg4[%dma_wait3A_121, %dma_wait3A_122, %dma_wait3A_123, %dma_wait3A_131, %dma_wait3A_132] : memref<50x8x32x8x128xf32, #tpu.memory_space<hbm>> -> memref<1x1x1x8x128xf32, #tpu.memory_space<hbm>>
    %dma_wait3A_134 = tpu.memref_squeeze %dma_wait3A_133 : memref<1x1x1x8x128xf32, #tpu.memory_space<hbm>> -> memref<8x128xf32, #tpu.memory_space<hbm>>
    %dma_wait3A_135 = arith.constant 48 : i32
    %dma_wait3A_136 = arith.constant 0 : i32
    %dma_wait3A_137 = tpu.memref_slice %arg8[%dma_wait3A_135, %dma_wait3A_136] : memref<64x129xf32, #tpu.memory_space<vmem>> -> memref<8x128xf32, #tpu.memory_space<vmem>>
    tpu.wait_dma2 semaphore(%arg12 : memref<!tpu.dma_semaphore, #tpu.memory_space<semaphore_mem>>) src(%dma_wait3A_137 : memref<8x128xf32, #tpu.memory_space<vmem>>) dst(%dma_wait3A_134 : memref<8x128xf32, #tpu.memory_space<hbm>>)
    %dma_wait3A_138 = arith.constant 0 : i32
    %dma_wait3A_139 = arith.constant 7 : i32
    %dma_wait3A_140 = arith.constant 0 : i32
    %dma_wait3A_141 = arith.constant 56 : i32
    %dma_wait3A_142 = arith.constant 0 : i32
    %dma_wait3A_143 = tpu.memref_slice %arg8[%dma_wait3A_141, %dma_wait3A_142] : memref<64x129xf32, #tpu.memory_space<vmem>> -> memref<8x128xf32, #tpu.memory_space<vmem>>
    %dma_wait3A_144 = arith.constant 0 : i32
    %dma_wait3A_145 = arith.constant 0 : i32
    %dma_wait3A_146 = tpu.memref_slice %arg4[%dma_wait3A_138, %dma_wait3A_139, %dma_wait3A_140, %dma_wait3A_144, %dma_wait3A_145] : memref<50x8x32x8x128xf32, #tpu.memory_space<hbm>> -> memref<1x1x1x8x128xf32, #tpu.memory_space<hbm>>
    %dma_wait3A_147 = tpu.memref_squeeze %dma_wait3A_146 : memref<1x1x1x8x128xf32, #tpu.memory_space<hbm>> -> memref<8x128xf32, #tpu.memory_space<hbm>>
    %dma_wait3A_148 = arith.constant 0 : i32
    %dma_wait3A_149 = arith.constant 0 : i32
    %dma_wait3A_150 = tpu.memref_slice %arg4[%dma_wait3A_138, %dma_wait3A_139, %dma_wait3A_140, %dma_wait3A_148, %dma_wait3A_149] : memref<50x8x32x8x128xf32, #tpu.memory_space<hbm>> -> memref<1x1x1x8x128xf32, #tpu.memory_space<hbm>>
    %dma_wait3A_151 = tpu.memref_squeeze %dma_wait3A_150 : memref<1x1x1x8x128xf32, #tpu.memory_space<hbm>> -> memref<8x128xf32, #tpu.memory_space<hbm>>
    %dma_wait3A_152 = arith.constant 56 : i32
    %dma_wait3A_153 = arith.constant 0 : i32
    %dma_wait3A_154 = tpu.memref_slice %arg8[%dma_wait3A_152, %dma_wait3A_153] : memref<64x129xf32, #tpu.memory_space<vmem>> -> memref<8x128xf32, #tpu.memory_space<vmem>>
    tpu.wait_dma2 semaphore(%arg12 : memref<!tpu.dma_semaphore, #tpu.memory_space<semaphore_mem>>) src(%dma_wait3A_154 : memref<8x128xf32, #tpu.memory_space<vmem>>) dst(%dma_wait3A_151 : memref<8x128xf32, #tpu.memory_space<hbm>>)
    %dma_wait3A_155 = arith.constant 0 : i32
    %dma_wait3A_156 = arith.constant 0 : i32
    %dma_wait3A_157 = arith.constant 0 : i32
    %dma_wait3A_158 = arith.constant 0 : i32
    %dma_wait3A_159 = arith.constant 0 : i32
    %dma_wait3A_160 = tpu.memref_slice %arg9[%dma_wait3A_158, %dma_wait3A_159] : memref<64x129xf32, #tpu.memory_space<vmem>> -> memref<8x128xf32, #tpu.memory_space<vmem>>
    %dma_wait3A_161 = arith.constant 0 : i32
    %dma_wait3A_162 = arith.constant 0 : i32
    %dma_wait3A_163 = tpu.memref_slice %arg4[%dma_wait3A_155, %dma_wait3A_156, %dma_wait3A_157, %dma_wait3A_161, %dma_wait3A_162] : memref<50x8x32x8x128xf32, #tpu.memory_space<hbm>> -> memref<1x1x1x8x128xf32, #tpu.memory_space<hbm>>
    %dma_wait3A_164 = tpu.memref_squeeze %dma_wait3A_163 : memref<1x1x1x8x128xf32, #tpu.memory_space<hbm>> -> memref<8x128xf32, #tpu.memory_space<hbm>>
    %dma_wait3A_165 = arith.constant 0 : i32
    %dma_wait3A_166 = arith.constant 0 : i32
    %dma_wait3A_167 = tpu.memref_slice %arg4[%dma_wait3A_155, %dma_wait3A_156, %dma_wait3A_157, %dma_wait3A_165, %dma_wait3A_166] : memref<50x8x32x8x128xf32, #tpu.memory_space<hbm>> -> memref<1x1x1x8x128xf32, #tpu.memory_space<hbm>>
    %dma_wait3A_168 = tpu.memref_squeeze %dma_wait3A_167 : memref<1x1x1x8x128xf32, #tpu.memory_space<hbm>> -> memref<8x128xf32, #tpu.memory_space<hbm>>
    %dma_wait3A_169 = arith.constant 0 : i32
    %dma_wait3A_170 = arith.constant 0 : i32
    %dma_wait3A_171 = tpu.memref_slice %arg9[%dma_wait3A_169, %dma_wait3A_170] : memref<64x129xf32, #tpu.memory_space<vmem>> -> memref<8x128xf32, #tpu.memory_space<vmem>>
    tpu.wait_dma2 semaphore(%arg13 : memref<!tpu.dma_semaphore, #tpu.memory_space<semaphore_mem>>) src(%dma_wait3A_171 : memref<8x128xf32, #tpu.memory_space<vmem>>) dst(%dma_wait3A_168 : memref<8x128xf32, #tpu.memory_space<hbm>>)
    %dma_wait3A_172 = arith.constant 0 : i32
    %dma_wait3A_173 = arith.constant 1 : i32
    %dma_wait3A_174 = arith.constant 0 : i32
    %dma_wait3A_175 = arith.constant 8 : i32
    %dma_wait3A_176 = arith.constant 0 : i32
    %dma_wait3A_177 = tpu.memref_slice %arg9[%dma_wait3A_175, %dma_wait3A_176] : memref<64x129xf32, #tpu.memory_space<vmem>> -> memref<8x128xf32, #tpu.memory_space<vmem>>
    %dma_wait3A_178 = arith.constant 0 : i32
    %dma_wait3A_179 = arith.constant 0 : i32
    %dma_wait3A_180 = tpu.memref_slice %arg4[%dma_wait3A_172, %dma_wait3A_173, %dma_wait3A_174, %dma_wait3A_178, %dma_wait3A_179] : memref<50x8x32x8x128xf32, #tpu.memory_space<hbm>> -> memref<1x1x1x8x128xf32, #tpu.memory_space<hbm>>
    %dma_wait3A_181 = tpu.memref_squeeze %dma_wait3A_180 : memref<1x1x1x8x128xf32, #tpu.memory_space<hbm>> -> memref<8x128xf32, #tpu.memory_space<hbm>>
    %dma_wait3A_182 = arith.constant 0 : i32
    %dma_wait3A_183 = arith.constant 0 : i32
    %dma_wait3A_184 = tpu.memref_slice %arg4[%dma_wait3A_172, %dma_wait3A_173, %dma_wait3A_174, %dma_wait3A_182, %dma_wait3A_183] : memref<50x8x32x8x128xf32, #tpu.memory_space<hbm>> -> memref<1x1x1x8x128xf32, #tpu.memory_space<hbm>>
    %dma_wait3A_185 = tpu.memref_squeeze %dma_wait3A_184 : memref<1x1x1x8x128xf32, #tpu.memory_space<hbm>> -> memref<8x128xf32, #tpu.memory_space<hbm>>
    %dma_wait3A_186 = arith.constant 8 : i32
    %dma_wait3A_187 = arith.constant 0 : i32
    %dma_wait3A_188 = tpu.memref_slice %arg9[%dma_wait3A_186, %dma_wait3A_187] : memref<64x129xf32, #tpu.memory_space<vmem>> -> memref<8x128xf32, #tpu.memory_space<vmem>>
    tpu.wait_dma2 semaphore(%arg13 : memref<!tpu.dma_semaphore, #tpu.memory_space<semaphore_mem>>) src(%dma_wait3A_188 : memref<8x128xf32, #tpu.memory_space<vmem>>) dst(%dma_wait3A_185 : memref<8x128xf32, #tpu.memory_space<hbm>>)
    %dma_wait3A_189 = arith.constant 0 : i32
    %dma_wait3A_190 = arith.constant 2 : i32
    %dma_wait3A_191 = arith.constant 0 : i32
    %dma_wait3A_192 = arith.constant 16 : i32
    %dma_wait3A_193 = arith.constant 0 : i32
    %dma_wait3A_194 = tpu.memref_slice %arg9[%dma_wait3A_192, %dma_wait3A_193] : memref<64x129xf32, #tpu.memory_space<vmem>> -> memref<8x128xf32, #tpu.memory_space<vmem>>
    %dma_wait3A_195 = arith.constant 0 : i32
    %dma_wait3A_196 = arith.constant 0 : i32
    %dma_wait3A_197 = tpu.memref_slice %arg4[%dma_wait3A_189, %dma_wait3A_190, %dma_wait3A_191, %dma_wait3A_195, %dma_wait3A_196] : memref<50x8x32x8x128xf32, #tpu.memory_space<hbm>> -> memref<1x1x1x8x128xf32, #tpu.memory_space<hbm>>
    %dma_wait3A_198 = tpu.memref_squeeze %dma_wait3A_197 : memref<1x1x1x8x128xf32, #tpu.memory_space<hbm>> -> memref<8x128xf32, #tpu.memory_space<hbm>>
    %dma_wait3A_199 = arith.constant 0 : i32
    %dma_wait3A_200 = arith.constant 0 : i32
    %dma_wait3A_201 = tpu.memref_slice %arg4[%dma_wait3A_189, %dma_wait3A_190, %dma_wait3A_191, %dma_wait3A_199, %dma_wait3A_200] : memref<50x8x32x8x128xf32, #tpu.memory_space<hbm>> -> memref<1x1x1x8x128xf32, #tpu.memory_space<hbm>>
    %dma_wait3A_202 = tpu.memref_squeeze %dma_wait3A_201 : memref<1x1x1x8x128xf32, #tpu.memory_space<hbm>> -> memref<8x128xf32, #tpu.memory_space<hbm>>
    %dma_wait3A_203 = arith.constant 16 : i32
    %dma_wait3A_204 = arith.constant 0 : i32
    %dma_wait3A_205 = tpu.memref_slice %arg9[%dma_wait3A_203, %dma_wait3A_204] : memref<64x129xf32, #tpu.memory_space<vmem>> -> memref<8x128xf32, #tpu.memory_space<vmem>>
    tpu.wait_dma2 semaphore(%arg13 : memref<!tpu.dma_semaphore, #tpu.memory_space<semaphore_mem>>) src(%dma_wait3A_205 : memref<8x128xf32, #tpu.memory_space<vmem>>) dst(%dma_wait3A_202 : memref<8x128xf32, #tpu.memory_space<hbm>>)
    %dma_wait3A_206 = arith.constant 0 : i32
    %dma_wait3A_207 = arith.constant 3 : i32
    %dma_wait3A_208 = arith.constant 0 : i32
    %dma_wait3A_209 = arith.constant 24 : i32
    %dma_wait3A_210 = arith.constant 0 : i32
    %dma_wait3A_211 = tpu.memref_slice %arg9[%dma_wait3A_209, %dma_wait3A_210] : memref<64x129xf32, #tpu.memory_space<vmem>> -> memref<8x128xf32, #tpu.memory_space<vmem>>
    %dma_wait3A_212 = arith.constant 0 : i32
    %dma_wait3A_213 = arith.constant 0 : i32
    %dma_wait3A_214 = tpu.memref_slice %arg4[%dma_wait3A_206, %dma_wait3A_207, %dma_wait3A_208, %dma_wait3A_212, %dma_wait3A_213] : memref<50x8x32x8x128xf32, #tpu.memory_space<hbm>> -> memref<1x1x1x8x128xf32, #tpu.memory_space<hbm>>
    %dma_wait3A_215 = tpu.memref_squeeze %dma_wait3A_214 : memref<1x1x1x8x128xf32, #tpu.memory_space<hbm>> -> memref<8x128xf32, #tpu.memory_space<hbm>>
    %dma_wait3A_216 = arith.constant 0 : i32
    %dma_wait3A_217 = arith.constant 0 : i32
    %dma_wait3A_218 = tpu.memref_slice %arg4[%dma_wait3A_206, %dma_wait3A_207, %dma_wait3A_208, %dma_wait3A_216, %dma_wait3A_217] : memref<50x8x32x8x128xf32, #tpu.memory_space<hbm>> -> memref<1x1x1x8x128xf32, #tpu.memory_space<hbm>>
    %dma_wait3A_219 = tpu.memref_squeeze %dma_wait3A_218 : memref<1x1x1x8x128xf32, #tpu.memory_space<hbm>> -> memref<8x128xf32, #tpu.memory_space<hbm>>
    %dma_wait3A_220 = arith.constant 24 : i32
    %dma_wait3A_221 = arith.constant 0 : i32
    %dma_wait3A_222 = tpu.memref_slice %arg9[%dma_wait3A_220, %dma_wait3A_221] : memref<64x129xf32, #tpu.memory_space<vmem>> -> memref<8x128xf32, #tpu.memory_space<vmem>>
    tpu.wait_dma2 semaphore(%arg13 : memref<!tpu.dma_semaphore, #tpu.memory_space<semaphore_mem>>) src(%dma_wait3A_222 : memref<8x128xf32, #tpu.memory_space<vmem>>) dst(%dma_wait3A_219 : memref<8x128xf32, #tpu.memory_space<hbm>>)
    %dma_wait3A_223 = arith.constant 0 : i32
    %dma_wait3A_224 = arith.constant 4 : i32
    %dma_wait3A_225 = arith.constant 0 : i32
    %dma_wait3A_226 = arith.constant 32 : i32
    %dma_wait3A_227 = arith.constant 0 : i32
    %dma_wait3A_228 = tpu.memref_slice %arg9[%dma_wait3A_226, %dma_wait3A_227] : memref<64x129xf32, #tpu.memory_space<vmem>> -> memref<8x128xf32, #tpu.memory_space<vmem>>
    %dma_wait3A_229 = arith.constant 0 : i32
    %dma_wait3A_230 = arith.constant 0 : i32
    %dma_wait3A_231 = tpu.memref_slice %arg4[%dma_wait3A_223, %dma_wait3A_224, %dma_wait3A_225, %dma_wait3A_229, %dma_wait3A_230] : memref<50x8x32x8x128xf32, #tpu.memory_space<hbm>> -> memref<1x1x1x8x128xf32, #tpu.memory_space<hbm>>
    %dma_wait3A_232 = tpu.memref_squeeze %dma_wait3A_231 : memref<1x1x1x8x128xf32, #tpu.memory_space<hbm>> -> memref<8x128xf32, #tpu.memory_space<hbm>>
    %dma_wait3A_233 = arith.constant 0 : i32
    %dma_wait3A_234 = arith.constant 0 : i32
    %dma_wait3A_235 = tpu.memref_slice %arg4[%dma_wait3A_223, %dma_wait3A_224, %dma_wait3A_225, %dma_wait3A_233, %dma_wait3A_234] : memref<50x8x32x8x128xf32, #tpu.memory_space<hbm>> -> memref<1x1x1x8x128xf32, #tpu.memory_space<hbm>>
    %dma_wait3A_236 = tpu.memref_squeeze %dma_wait3A_235 : memref<1x1x1x8x128xf32, #tpu.memory_space<hbm>> -> memref<8x128xf32, #tpu.memory_space<hbm>>
    %dma_wait3A_237 = arith.constant 32 : i32
    %dma_wait3A_238 = arith.constant 0 : i32
    %dma_wait3A_239 = tpu.memref_slice %arg9[%dma_wait3A_237, %dma_wait3A_238] : memref<64x129xf32, #tpu.memory_space<vmem>> -> memref<8x128xf32, #tpu.memory_space<vmem>>
    tpu.wait_dma2 semaphore(%arg13 : memref<!tpu.dma_semaphore, #tpu.memory_space<semaphore_mem>>) src(%dma_wait3A_239 : memref<8x128xf32, #tpu.memory_space<vmem>>) dst(%dma_wait3A_236 : memref<8x128xf32, #tpu.memory_space<hbm>>)
    %dma_wait3A_240 = arith.constant 0 : i32
    %dma_wait3A_241 = arith.constant 5 : i32
    %dma_wait3A_242 = arith.constant 0 : i32
    %dma_wait3A_243 = arith.constant 40 : i32
    %dma_wait3A_244 = arith.constant 0 : i32
    %dma_wait3A_245 = tpu.memref_slice %arg9[%dma_wait3A_243, %dma_wait3A_244] : memref<64x129xf32, #tpu.memory_space<vmem>> -> memref<8x128xf32, #tpu.memory_space<vmem>>
    %dma_wait3A_246 = arith.constant 0 : i32
    %dma_wait3A_247 = arith.constant 0 : i32
    %dma_wait3A_248 = tpu.memref_slice %arg4[%dma_wait3A_240, %dma_wait3A_241, %dma_wait3A_242, %dma_wait3A_246, %dma_wait3A_247] : memref<50x8x32x8x128xf32, #tpu.memory_space<hbm>> -> memref<1x1x1x8x128xf32, #tpu.memory_space<hbm>>
    %dma_wait3A_249 = tpu.memref_squeeze %dma_wait3A_248 : memref<1x1x1x8x128xf32, #tpu.memory_space<hbm>> -> memref<8x128xf32, #tpu.memory_space<hbm>>
    %dma_wait3A_250 = arith.constant 0 : i32
    %dma_wait3A_251 = arith.constant 0 : i32
    %dma_wait3A_252 = tpu.memref_slice %arg4[%dma_wait3A_240, %dma_wait3A_241, %dma_wait3A_242, %dma_wait3A_250, %dma_wait3A_251] : memref<50x8x32x8x128xf32, #tpu.memory_space<hbm>> -> memref<1x1x1x8x128xf32, #tpu.memory_space<hbm>>
    %dma_wait3A_253 = tpu.memref_squeeze %dma_wait3A_252 : memref<1x1x1x8x128xf32, #tpu.memory_space<hbm>> -> memref<8x128xf32, #tpu.memory_space<hbm>>
    %dma_wait3A_254 = arith.constant 40 : i32
    %dma_wait3A_255 = arith.constant 0 : i32
    %dma_wait3A_256 = tpu.memref_slice %arg9[%dma_wait3A_254, %dma_wait3A_255] : memref<64x129xf32, #tpu.memory_space<vmem>> -> memref<8x128xf32, #tpu.memory_space<vmem>>
    tpu.wait_dma2 semaphore(%arg13 : memref<!tpu.dma_semaphore, #tpu.memory_space<semaphore_mem>>) src(%dma_wait3A_256 : memref<8x128xf32, #tpu.memory_space<vmem>>) dst(%dma_wait3A_253 : memref<8x128xf32, #tpu.memory_space<hbm>>)
    %dma_wait3A_257 = arith.constant 0 : i32
    %dma_wait3A_258 = arith.constant 6 : i32
    %dma_wait3A_259 = arith.constant 0 : i32
    %dma_wait3A_260 = arith.constant 48 : i32
    %dma_wait3A_261 = arith.constant 0 : i32
    %dma_wait3A_262 = tpu.memref_slice %arg9[%dma_wait3A_260, %dma_wait3A_261] : memref<64x129xf32, #tpu.memory_space<vmem>> -> memref<8x128xf32, #tpu.memory_space<vmem>>
    %dma_wait3A_263 = arith.constant 0 : i32
    %dma_wait3A_264 = arith.constant 0 : i32
    %dma_wait3A_265 = tpu.memref_slice %arg4[%dma_wait3A_257, %dma_wait3A_258, %dma_wait3A_259, %dma_wait3A_263, %dma_wait3A_264] : memref<50x8x32x8x128xf32, #tpu.memory_space<hbm>> -> memref<1x1x1x8x128xf32, #tpu.memory_space<hbm>>
    %dma_wait3A_266 = tpu.memref_squeeze %dma_wait3A_265 : memref<1x1x1x8x128xf32, #tpu.memory_space<hbm>> -> memref<8x128xf32, #tpu.memory_space<hbm>>
    %dma_wait3A_267 = arith.constant 0 : i32
    %dma_wait3A_268 = arith.constant 0 : i32
    %dma_wait3A_269 = tpu.memref_slice %arg4[%dma_wait3A_257, %dma_wait3A_258, %dma_wait3A_259, %dma_wait3A_267, %dma_wait3A_268] : memref<50x8x32x8x128xf32, #tpu.memory_space<hbm>> -> memref<1x1x1x8x128xf32, #tpu.memory_space<hbm>>
    %dma_wait3A_270 = tpu.memref_squeeze %dma_wait3A_269 : memref<1x1x1x8x128xf32, #tpu.memory_space<hbm>> -> memref<8x128xf32, #tpu.memory_space<hbm>>
    %dma_wait3A_271 = arith.constant 48 : i32
    %dma_wait3A_272 = arith.constant 0 : i32
    %dma_wait3A_273 = tpu.memref_slice %arg9[%dma_wait3A_271, %dma_wait3A_272] : memref<64x129xf32, #tpu.memory_space<vmem>> -> memref<8x128xf32, #tpu.memory_space<vmem>>
    tpu.wait_dma2 semaphore(%arg13 : memref<!tpu.dma_semaphore, #tpu.memory_space<semaphore_mem>>) src(%dma_wait3A_273 : memref<8x128xf32, #tpu.memory_space<vmem>>) dst(%dma_wait3A_270 : memref<8x128xf32, #tpu.memory_space<hbm>>)
    %dma_wait3A_274 = arith.constant 0 : i32
    %dma_wait3A_275 = arith.constant 7 : i32
    %dma_wait3A_276 = arith.constant 0 : i32
    %dma_wait3A_277 = arith.constant 56 : i32
    %dma_wait3A_278 = arith.constant 0 : i32
    %dma_wait3A_279 = tpu.memref_slice %arg9[%dma_wait3A_277, %dma_wait3A_278] : memref<64x129xf32, #tpu.memory_space<vmem>> -> memref<8x128xf32, #tpu.memory_space<vmem>>
    %dma_wait3A_280 = arith.constant 0 : i32
    %dma_wait3A_281 = arith.constant 0 : i32
    %dma_wait3A_282 = tpu.memref_slice %arg4[%dma_wait3A_274, %dma_wait3A_275, %dma_wait3A_276, %dma_wait3A_280, %dma_wait3A_281] : memref<50x8x32x8x128xf32, #tpu.memory_space<hbm>> -> memref<1x1x1x8x128xf32, #tpu.memory_space<hbm>>
    %dma_wait3A_283 = tpu.memref_squeeze %dma_wait3A_282 : memref<1x1x1x8x128xf32, #tpu.memory_space<hbm>> -> memref<8x128xf32, #tpu.memory_space<hbm>>
    %dma_wait3A_284 = arith.constant 0 : i32
    %dma_wait3A_285 = arith.constant 0 : i32
    %dma_wait3A_286 = tpu.memref_slice %arg4[%dma_wait3A_274, %dma_wait3A_275, %dma_wait3A_276, %dma_wait3A_284, %dma_wait3A_285] : memref<50x8x32x8x128xf32, #tpu.memory_space<hbm>> -> memref<1x1x1x8x128xf32, #tpu.memory_space<hbm>>
    %dma_wait3A_287 = tpu.memref_squeeze %dma_wait3A_286 : memref<1x1x1x8x128xf32, #tpu.memory_space<hbm>> -> memref<8x128xf32, #tpu.memory_space<hbm>>
    %dma_wait3A_288 = arith.constant 56 : i32
    %dma_wait3A_289 = arith.constant 0 : i32
    %dma_wait3A_290 = tpu.memref_slice %arg9[%dma_wait3A_288, %dma_wait3A_289] : memref<64x129xf32, #tpu.memory_space<vmem>> -> memref<8x128xf32, #tpu.memory_space<vmem>>
    tpu.wait_dma2 semaphore(%arg13 : memref<!tpu.dma_semaphore, #tpu.memory_space<semaphore_mem>>) src(%dma_wait3A_290 : memref<8x128xf32, #tpu.memory_space<vmem>>) dst(%dma_wait3A_287 : memref<8x128xf32, #tpu.memory_space<hbm>>)
    return
  }
}

</mosaic_0001>

<sc_bundles>
// kernel: _emb.3.cloned.1.call-start
scs
__scs_entry_jumppad:
0x0: {  	(pc) =	sbr.rel $0x88, $3  }
0x1: {  	(tag) =	ssettag $0x0;
	lr =	simm.s32 $0x1  }
0x2: {  	[smem:$0x3F9F] =	sst lr;
	_ =	strace $0xD0000000  }
0x3: {  	_ = 	snop  }
0x4: {  	_ = 	snop  }
0x5: {  	_ = 	snop  }
0x6: {  	_ = 	snop  }
0x7: {  	_ = 	snop  }
__scs_overlays_trampoline_lowered:
0x8: {  	[smem:$0x3FAE] =	sst s0  }
0x9: {  	[smem:$0x3FAF] =	sst s1  }
0xa: {  	[smem:$0x3FB0] =	sst s2  }
0xb: {  	[smem:$0x3FB1] =	sst s3  }
0xc: {  	[smem:$0x3FB2] =	sst s4  }
0xd: {  	[smem:$0x3FB3] =	sst s5  }
0xe: {  	[smem:$0x3FB4] =	sst s6  }
0xf: {  	[smem:$0x3FB5] =	sst s7  }
0x10: {  	[smem:$0x3FB6] =	sst s8  }
0x11: {  	[smem:$0x3FB7] =	sst s9;
	s0 =	simm.s32 @!p0 $0x0  }
0x12: {  	s1 =	sld [smem:$0x3F9D];
	s0 =	simm.s32 @p0 $0x1  }
0x13: {  	[smem:$0x3FB8] =	sst s0;
	s0 =	simm.s32 @!p1 $0x0  }
0x14: {  	s2 =	sld [smem:$0x3F9C];
	s0 =	simm.s32 @p1 $0x1  }
0x15: {  	[smem:$0x3FB9] =	sst s0;
	s0 =	simm.s32 @!p2 $0x0  }
0x16: {  	s3 =	sld [smem:$0x3FDB];
	s0 =	simm.s32 @p2 $0x1  }
0x17: {  	s4 =	simm.s32 $0x1BF5;
	[smem:$0x3FBB] =	sst s0  }
0x18: {  	s0 =	sld [smem:$0x3F9E];
	_ =	swait.ge [sflag:s4], $0x0  }
0x19: {  	s7 =	sld [smem:$0x3F9F]  }
0x1a: {  	s8 =	sadd.s32 $0xFFFFE003, lr  }
0x1b: {  	s9 =	sadd.s32 $0xFFFFFEF7, lr;
	s5 =	simm.s32 $0xFFFFFFFF;
	p2 =	slt.u32 s8, $0xFFFFF086  }
0x1c: {  	p1 =	slt.u32 s9, $0xF7A;
	s5 =	simm.s32 @!p2 $0x0  }
0x1d: {  	s5 =	simm.s32 @p1 $0x1;
	p0 =	seq.s32 s7, s2  }
0x1e: {  	s7 =	smul.u32 @!p0 $0xF7A, s2;
	p2 =	seq.s32 @!p0 s5, $0x0  }
0x1f: {  	s9 =	smul.u32 $0xF7A, s1;
	s8 =	simm.s32 @!p0 $0x1BF5;
	p2 =	por !p2, p0  }
0x20: {  	[sflag:s8] =	ssyncset.s32 @!p0 $0xFFFFF086;
	s6 =	sadd.s32 @!p0 s3, s7;
	s7 =	simm.s32 @!p0 $0x108  }
0x21: {  	s3 =	sadd.s32 s3, s9;
	s6 =	sadd.s32 @!p0 $0x88, s6;
	s7 =	simm.s32 @p2 $0x1082  }
0x22: {  	[simem:s7], [sflag:s8] =	dma.local @!p0 [hbm:s6], $0xF7A  }
0x23: {  	s9 =	sor.u32 $0xD0000000, s2;
	s6 =	simm.s32 $0x108;
	_ =	swait.ge @!p0 [sflag:s8], $0x0  }
0x24: {  	s3 =	sadd.s32 $0x88, s3;
	s6 =	simm.s32 @!p1 $0x1082;
	[sflag:s4] =	ssyncset.s32 $0xFFFFF086  }
0x25: {  	[simem:s6], [sflag:s4] =	dma.local [hbm:s3], $0xF7A  }
0x26: {  	[smem:$0x3F9F] =	sst s1;
	(tag) =	ssettag s2;
	_ =	strace s9  }
0x27: {  	s1 =	sld [smem:$0x3FAF]  }
0x28: {  	s2 =	sld [smem:$0x3FB0]  }
0x29: {  	s4 =	sld [smem:$0x3FB2]  }
0x2a: {  	p0 =	seq.s32 s5, $0x0;
	s5 =	sld [smem:$0x3FB3]  }
0x2b: {  	s6 =	sld [smem:$0x3FB4]  }
0x2c: {  	s7 =	sld [smem:$0x3FB5]  }
0x2d: {  	s3 =	simm.s32 $0x108;
	s8 =	sld [smem:$0x3FB6]  }
0x2e: {  	s3 =	simm.s32 @!p0 $0x1082;
	s9 =	sld [smem:$0x3FB7]  }
0x2f: {  	lr =	sadd.s32 s0, s3;
	s0 =	sld [smem:$0x3FAE]  }
0x30: {  	s3 =	sld [smem:$0x3FB1]  }
0x31: {  	[smem:$0x3FBA] =	sst s10  }
0x32: {  	s10 =	sld [smem:$0x3FB8];
	_ =	sdelay $0x3  }
0x33: {  	p0 =	seq.s32 s10, $0x1;
	s10 =	sld [smem:$0x3FBA];
	_ =	sdelay $0x3  }
0x34: {  	[smem:$0x3FBA] =	sst s10  }
0x35: {  	s10 =	sld [smem:$0x3FB9];
	_ =	sdelay $0x3  }
0x36: {  	p1 =	seq.s32 s10, $0x1;
	s10 =	sld [smem:$0x3FBA];
	_ =	sdelay $0x3  }
0x37: {  	[smem:$0x3FBA] =	sst s10  }
0x38: {  	s10 =	sld [smem:$0x3FBB]  }
0x39: {  	_ = 	snop;
	(pc) =	sbr.ind lr, $3  }
0x3a: {  	_ = 	snop  }
0x3b: {  	_ = 	snop  }
0x3c: {  	p2 =	seq.s32 s10, $0x1;
	s10 =	sld [smem:$0x3FBA]  }
0x3d: {  	_ =	shalt  }
0x3e: {  	_ =	shalt  }
0x3f: {  	_ =	shalt  }
0x40: {  	_ =	shalt  }
0x41: {  	_ =	shalt  }
0x42: {  	_ =	shalt  }
0x43: {  	_ =	shalt  }
0x44: {  	_ =	shalt  }
0x45: {  	_ =	shalt  }
0x46: {  	_ =	shalt  }
0x47: {  	_ =	shalt  }
0x48: {  	_ =	shalt  }
0x49: {  	_ =	shalt  }
0x4a: {  	_ =	shalt  }
0x4b: {  	_ =	shalt  }
0x4c: {  	_ =	shalt  }
0x4d: {  	_ =	shalt  }
0x4e: {  	_ =	shalt  }
0x4f: {  	_ =	shalt  }
0x50: {  	_ =	shalt  }
0x51: {  	_ =	shalt  }
0x52: {  	_ =	shalt  }
0x53: {  	_ =	shalt  }
0x54: {  	_ =	shalt  }
0x55: {  	_ =	shalt  }
0x56: {  	_ =	shalt  }
0x57: {  	_ =	shalt  }
0x58: {  	_ =	shalt  }
0x59: {  	_ =	shalt  }
0x5a: {  	_ =	shalt  }
0x5b: {  	_ =	shalt  }
0x5c: {  	_ =	shalt  }
0x5d: {  	_ =	shalt  }
0x5e: {  	_ =	shalt  }
0x5f: {  	_ =	shalt  }
0x60: {  	_ =	shalt  }
0x61: {  	_ =	shalt  }
0x62: {  	_ =	shalt  }
0x63: {  	_ =	shalt  }
0x64: {  	_ =	shalt  }
0x65: {  	_ =	shalt  }
0x66: {  	_ =	shalt  }
0x67: {  	_ =	shalt  }
0x68: {  	_ =	shalt  }
0x69: {  	_ =	shalt  }
0x6a: {  	_ =	shalt  }
0x6b: {  	_ =	shalt  }
0x6c: {  	_ =	shalt  }
0x6d: {  	_ =	shalt  }
0x6e: {  	_ =	shalt  }
0x6f: {  	_ =	shalt  }
0x70: {  	_ =	shalt  }
0x71: {  	_ =	shalt  }
0x72: {  	_ =	shalt  }
0x73: {  	_ =	shalt  }
0x74: {  	_ =	shalt  }
0x75: {  	_ =	shalt  }
0x76: {  	_ =	shalt  }
0x77: {  	_ =	shalt  }
0x78: {  	_ =	shalt  }
0x79: {  	_ =	shalt  }
0x7a: {  	_ =	shalt  }
0x7b: {  	_ =	shalt  }
0x7c: {  	_ =	shalt  }
0x7d: {  	_ =	shalt  }
0x7e: {  	_ =	shalt  }
0x7f: {  	_ =	shalt  }
0x80: {  	_ =	shalt  }
0x81: {  	_ =	shalt  }
0x82: {  	_ =	shalt  }
0x83: {  	_ =	shalt  }
0x84: {  	_ =	shalt  }
0x85: {  	_ =	shalt  }
0x86: {  	_ =	shalt  }
0x87: {  	_ =	shalt  }
.Lfunc_end0:
.L_simem_size_0:
called_computation_lowered:
.L_overlay_start_0:
0x88: {  	s2 =	sld [smem:$0x3FD9]  }
0x89: {  	s3 =	sld [smem:$0x3FFE];
	_ =	sdelay $0x1  }
0x8a: {  	s1 =	srdreg.scid  }
0x8b: {  	s0 =	sand.u32 $0x1, s1  }
0x8c: {  	s17 =	sshll.u32 s0, $0xA;
	s2 =	sadd.s32 s3, s2  }
0x8d: {  	s2 =	sadd.s32 s2, s17  }
0x8e: {  	[smem:$0x3FC6] =	sst s2  }
0x8f: {  	_ = 	snop  }
0x90: {  	s2 =	sld [smem:$0x3FC9]  }
0x91: {  	s18 =	sld [smem:$0x3FD0];
	(tm) =	ssettm $0x1  }
0x92: {  	s4 =	sld [smem:$0x3FFB];
	_ =	sdelay $0x3  }
0x93: {  	_ =	strace s4  }
0x94: {  	s4 =	sld [smem:$0x3FFC];
	_ =	sdelay $0x3  }
0x95: {  	_ =	strace s4  }
0x96: {  	s4 =	sld [smem:$0x3FFD];
	_ =	sdelay $0x3  }
0x97: {  	_ =	strace s4  }
0x98: {  	_ =	strace $0x8FFFFFFF  }
0x99: {  	s19 =	sld [smem:$0x3FDB];
	_ =	sdelay $0x1  }
0x9a: {  	s5 =	simm.s32 $_scs_section_size  }
0x9b: {  	s6 =	simm.s32 $_size__tile_overlayer_lowered;
	s7 =	simm.s32 $_tile_overlayer_lowered  }
0x9c: {  	s22 =	simm.s32 $0x1BFF;
	s21 =	sshll.u32 s7, $0x1;
	s4 =	sadd.s32 s5, s19  }
0x9d: {  	s8 =	simm.s32 $0x0;
	s20 =	sshll.u32 s6, $0x1;
	s6 =	sadd.s32 s21, s4  }
0x9e: {  	[timem:s8], [sflag:s22] =	dma.local [hbm:s6], s20  }
0x9f: {  	_ =	swait.ge [sflag:s22], s20  }
0xa0: {  	s5 =	ssub.s32 $0x0, s20;
	[sflag:s22] =	ssyncset.done $0x0  }
0xa1: {  	[sflag:s22] =	ssyncadd.s32 s5;
	_ =	sdelay $0x1  }
0xa2: {  	s23 =	simm.s32 $0x1B8B  }
0xa3: {  	_ =	swait.ge [sflag:s23], $0x1  }
0xa4: {  	[sflag:s23] =	ssyncset.done $0x0  }
0xa5: {  	s25 =	simm.s32 $0x1B8E;
	s24 =	sld [smem:$0x3FFE];
	[sflag:s23] =	ssyncadd.s32 $0xFFFFFFFF  }
0xa6: {  	s26 =	simm.s32 $execute0_lowered;
	[smem:$0x3FD2] =	sst s25  }
0xa7: {  	s6 =	sshll.u32 s26, $0x1;
	_ =	strace $0x80000046;
	[dreg:$0x1] =	wrdreg $0xFFFFFFFF  }
0xa8: {  	s28 =	simm.s32 $_size_execute0_lowered;
	s4 =	sadd.s32 s4, s6;
	[dreg:$0x0] =	wrdreg $0x0  }
0xa9: {  	s6 =	sshll.u32 s28, $0x1;
	[dreg:$0x2] =	wrdreg s4  }
0xaa: {  	[dreg:$0x3] =	wrdreg s6  }
0xab: {  	[dreg:$0x4] =	wrdreg $0xC0  }
0xac: {  	_ =	task [dreg:s8], $0x5FFFF  }
0xad: {  	[dreg:$0x1] =	wrdreg $0xFFFFFFFF  }
0xae: {  	[dreg:$0x0] =	wrdreg $0x60  }
0xaf: {  	[dreg:$0x2] =	wrdreg s2  }
0xb0: {  	[dreg:$0x3] =	wrdreg s24  }
0xb1: {  	[dreg:$0x4] =	wrdreg s18  }
0xb2: {  	[dreg:$0x5] =	wrdreg $0x9  }
0xb3: {  	_ =	task.clear_ibuf [dreg:s8], $0x6FFFF;
	_ =	strace $0x90000046  }
0xb4: {  	s29 =	simm.s32 $0x9;
	_ =	strace $0x80000048  }
0xb5: {  	_ =	swait.ge [sflag:s29], $0x1  }
0xb6: {  	[sflag:s29] =	ssyncadd.s32 $0xFFFFFFFF  }
0xb7: {  	_ =	strace $0x90000048  }
0xb8: {  	_ =	sfence  }
0xb9: {  	s30 =	sld [smem:$0x0];
	_ =	sdelay $0x2  }
0xba: {  	s31 =	sshll.u32 s1, $0xD;
	s1 =	sshrl.u32 s1, $0x2  }
0xbb: {  	s3 =	sand.u32 $0x4000, s31;
	s1 =	sadd.s32 s1, s30  }
0xbc: {  	s0 =	sor.u32 s3, s0;
	s1 =	sshll.u32 s1, $0x11  }
0xbd: {  	s0 =	sor.u32 s1, s0  }
0xbe: {  	s0 =	sadd.s32 $0x8F2B, s0  }
0xbf: {  	[sflag:s0] =	ssyncadd.remote.s32 $0x1  }
0xc0: {  	_ =	sfence.sel $0xFFFF  }
0xc1: {  	[dreg:$0x0] =	wrdreg $0xFFFFFFFF;
	(pc) =	sbr.abs _section_cstart, $3  }
0xc2: {  	[dreg:$0x1] =	wrdreg $0xFFFFFFFF  }
0xc3: {  	_ =	task.clear_ibuf [dreg:s8], $0x2FFFF;
	_ =	strace $0x9FFFFFFF  }
0xc4: {  	(tm) =	ssettm $0x7FFFFFFF  }
0xc5: {  	_ =	shalt  }
tec
execute0_lowered:
.L_overlay_start_1:
0x0: {  	(tag) =	ssettag $0x1  }
0x1: {  	s0 =	rddreg [dreg:$0x0]  }
0x2: {  	s1 =	rddreg [dreg:$0x1]  }
0x3: {  	s2 =	rddreg [dreg:$0x2]  }
0x4: {  	s3 =	srdreg.scid;
	s5 =	stileid.u32;
	v0 =	vlaneseq.u32  }
0x5: {  	s19 =	simm.s32 $0x1;
	s20 =	simm.s32 $0x5900;
	s17 =	simm.s32 $0x7B00;
	v0 =	vmul.u32 $0x88, v0  }
0x6: {  	v1 =	vimm.s32 $0x0;
	vm0 =	vcmask $0x300;
	s23 =	simm.s32 $0x9838;
	s24 =	simm.s32 $0x98C0;
	s28 =	simm.s32 $0x9A58  }
0x7: {  	s16 =	simm.s32 $0x9AE0;
	s29 =	simm.s32 $0x9B68;
	s30 =	simm.s32 $0x9BF0;
	v1 =	vsel vm0, $0x3, v1;
	v2 =	vadd.s32 $0x880, v0  }
0x8: {  	s31 =	simm.s32 $0x9C78;
	s14 =	simm.s32 $0x0;
	s22 =	simm.s32 $0x80;
	v3 =	vadd.s32 $0x1100, v0;
	v4 =	vadd.s32 $0x1980, v0;
	v5 =	vor.u32 $0x1, v0  }
0x9: {  	s4 =	sand.u32 $0x1, s3;
	s5 =	sshll.u32 s5, $0x1;
	s3 =	simm.s32 $0x0;
	v6 =	vadd.s32 $0x881, v0;
	v7 =	vadd.s32 $0x1101, v0;
	v8 =	vadd.s32 $0x1981, v0  }
0xa: {  	s9 =	sadd.s32 $0x3000, s2;
	s10 =	sadd.s32 $0x4000, s2;
	s11 =	sadd.s32 $0x5000, s2;
	v9 =	vor.u32 $0x2, v0;
	v10 =	vadd.s32 $0x882, v0;
	v11 =	vadd.s32 $0x1102, v0  }
0xb: {  	s12 =	sadd.s32 $0x6000, s2;
	s13 =	sadd.s32 $0x7000, s2;
	s5 =	sor.u32 s4, s5;
	v12 =	vadd.s32 $0x1982, v0;
	v13 =	vor.u32 $0x3, v0;
	v14 =	vadd.s32 $0x883, v0  }
0xc: {  	s6 =	ssub.s32 $0x2, s4;
	[smem:$0x7FF] =	sst s3;
	s8 =	smul.u32 $0x320, s5;
	v15 =	vadd.s32 $0x1103, v0;
	v16 =	vadd.s32 $0x1983, v0;
	v17 =	vor.u32 $0x4, v0  }
.Ltmp0:
0xd: {  	s4 =	sadd.s32 $0x400, s1;
	s1 =	simm.s32 $0x2;
	v18 =	vadd.s32 $0x884, v0;
	v19 =	vadd.s32 $0x1104, v0;
	v20 =	vadd.s32 $0x1984, v0;
	(pc) =	sbr.rel .LBB2_1-.Ltmp0, $4  }
0xe: {  	s7 =	sshrl.u32 s6, $0x1;
	_ =	strace $0x80000047;
	s5 =	smul.u32 $0x32, s5;
	v21 =	vor.u32 $0x5, v0;
	v22 =	vadd.s32 $0x885, v0;
	v23 =	vadd.s32 $0x1105, v0  }
0xf: {  	v24 =	vadd.s32 $0x1985, v0;
	v25 =	vor.u32 $0x6, v0;
	v26 =	vadd.s32 $0x886, v0;
	s25 =	ssub.s32 s6, s7;
	s7 =	sadd.s32 $0x1000, s2;
	s0 =	sadd.s32 s0, s8  }
0x10: {  	v27 =	vadd.s32 $0x1106, v0;
	v28 =	vadd.s32 $0x1986, v0;
	v29 =	vor.u32 $0x7, v0;
	s8 =	sadd.s32 $0x2000, s2;
	s26 =	smax.u32 s25, $0x1;
	[dreg:$0x4] =	wrdreg s0  }
0x11: {  	v30 =	vadd.s32 $0x887, v0;
	v31 =	vadd.s32 $0x1107, v0;
	v32 =	vadd.s32 $0x1987, v0;
	s25 =	simm.s32 $0x9948;
	[dreg:$0x5] =	wrdreg s26;
	s26 =	simm.s32 $0x99D0  }
.LBB2_8:
0x12: {  	s0 =	simm.s32 $0x3  }
0x13: {  	_ =	swait.ge [sflag:s0], $0x400  }
0x14: {  	[sflag:s0] =	ssyncset.done $0x0  }
0x15: {  	[sflag:s0] =	ssyncadd.s32 $0xFFFFFC00  }
0x16: {  	_ =	swait.ge [sflag:s0], $0x400  }
0x17: {  	[sflag:s0] =	ssyncset.done $0x0  }
0x18: {  	[sflag:s0] =	ssyncadd.s32 $0xFFFFFC00  }
0x19: {  	_ =	swait.ge [sflag:s0], $0x400  }
0x1a: {  	[sflag:s0] =	ssyncset.done $0x0  }
0x1b: {  	[sflag:s0] =	ssyncadd.s32 $0xFFFFFC00  }
0x1c: {  	_ =	swait.ge [sflag:s0], $0x400  }
0x1d: {  	[sflag:s0] =	ssyncset.done $0x0  }
0x1e: {  	[sflag:s0] =	ssyncadd.s32 $0xFFFFFC00  }
0x1f: {  	_ =	swait.ge [sflag:s0], $0x400  }
0x20: {  	[sflag:s0] =	ssyncset.done $0x0  }
0x21: {  	[sflag:s0] =	ssyncadd.s32 $0xFFFFFC00  }
0x22: {  	_ =	swait.ge [sflag:s0], $0x400  }
0x23: {  	[sflag:s0] =	ssyncset.done $0x0  }
0x24: {  	[sflag:s0] =	ssyncadd.s32 $0xFFFFFC00  }
0x25: {  	_ =	swait.ge [sflag:s0], $0x400  }
0x26: {  	[sflag:s0] =	ssyncset.done $0x0  }
0x27: {  	[sflag:s0] =	ssyncadd.s32 $0xFFFFFC00  }
0x28: {  	_ =	swait.ge [sflag:s0], $0x400  }
0x29: {  	[sflag:s0] =	ssyncset.done $0x0  }
0x2a: {  	s6 =	simm.s32 $0x4;
	[sflag:s0] =	ssyncadd.s32 $0xFFFFFC00  }
0x2b: {  	_ =	swait.ge [sflag:s6], $0x400  }
0x2c: {  	[sflag:s6] =	ssyncset.done $0x0  }
0x2d: {  	[sflag:s6] =	ssyncadd.s32 $0xFFFFFC00  }
0x2e: {  	_ =	swait.ge [sflag:s6], $0x400  }
0x2f: {  	[sflag:s6] =	ssyncset.done $0x0  }
0x30: {  	[sflag:s6] =	ssyncadd.s32 $0xFFFFFC00  }
0x31: {  	_ =	swait.ge [sflag:s6], $0x400  }
0x32: {  	[sflag:s6] =	ssyncset.done $0x0  }
0x33: {  	[sflag:s6] =	ssyncadd.s32 $0xFFFFFC00  }
0x34: {  	_ =	swait.ge [sflag:s6], $0x400  }
0x35: {  	[sflag:s6] =	ssyncset.done $0x0  }
0x36: {  	[sflag:s6] =	ssyncadd.s32 $0xFFFFFC00  }
0x37: {  	_ =	swait.ge [sflag:s6], $0x400  }
0x38: {  	[sflag:s6] =	ssyncset.done $0x0  }
0x39: {  	[sflag:s6] =	ssyncadd.s32 $0xFFFFFC00  }
0x3a: {  	_ =	swait.ge [sflag:s6], $0x400  }
0x3b: {  	[sflag:s6] =	ssyncset.done $0x0  }
0x3c: {  	[sflag:s6] =	ssyncadd.s32 $0xFFFFFC00  }
0x3d: {  	_ =	swait.ge [sflag:s6], $0x400  }
0x3e: {  	[sflag:s6] =	ssyncset.done $0x0  }
0x3f: {  	[sflag:s6] =	ssyncadd.s32 $0xFFFFFC00  }
0x40: {  	_ =	swait.ge [sflag:s6], $0x400  }
0x41: {  	s14 =	rddreg [dreg:$0x6]  }
0x42: {  	s21 =	rddreg [dreg:$0x5];
	s14 =	sadd.s32 $0x1, s14  }
0x43: {  	p0 =	sne.s32 s14, s21  }
.Ltmp1:
0x44: {  	_ = 	snop;
	(pc) =	sbr.rel @!p0 .LBB2_9-.Ltmp1, $3  }
0x45: {  	_ =	sdelay $0x1  }
0x46: {  	[sflag:s6] =	ssyncset.done $0x0  }
0x47: {  	[sflag:s6] =	ssyncadd.s32 $0xFFFFFC00  }
.LBB2_1:
0x48: {  	[dreg:$0x6] =	wrdreg s14  }
0x49: {  	s0 =	rddreg [dreg:$0x4];
	s15 =	simm.s32 $0x5  }
0x4a: {  	[tilespmem:s3], [sflag:$0x5] =	stream.linear.gather [hbm4b:s0+s3], $0x1900, $0x38;
	[tilespmem:$0x9D00] =	vst v63  }
0x4b: {  	_ =	swait.ge [sflag:s15], $0x1900  }
0x4c: {  	[sflag:s15] =	ssyncset.done $0x0  }
0x4d: {  	s18 =	simm.s32 $0x80;
	s6 =	simm.s32 $0x1900;
	[sflag:s15] =	ssyncadd.s32 $0xFFFFE700  }
0x4e: {  	[tilespmem:s6], [sflag:$0x1] =	stream.indirect.gather [hbm4b:s4+s18], $0x40, s3, s18, $0xb8;
	[tilespmem:$0x9D00] =	vst v63  }
0x4f: {  	s21 =	simm.s32 $0x3900;
	s0 =	simm.s32 $0x0  }
0x50: {  	[tilespmem:s21], [sflag:$0x2] =	stream.indirect.gather [hbm4b:s4+s18], $0x40, s18, s18, $0xb8;
	[tilespmem:$0x9D00] =	vst v63  }
.LBB2_2:
0x51: {  	_ =	swait.ge [sflag:s19], $0x2000  }
0x52: {  	p0 =	seq.s32 s0, $0x0;
	[sflag:s19] =	ssyncset.done $0x0  }
0x53: {  	s6 =	simm.s32 @!p0 $0x3;
	[sflag:s19] =	ssyncadd.s32 $0xFFFFE000  }
0x54: {  	_ =	swait.ge @!p0 [sflag:s6], $0x400  }
0x55: {  	[sflag:s6] =	ssyncset.done @!p0 $0x0  }
0x56: {  	[sflag:s6] =	ssyncadd.s32 @!p0 $0xFFFFFC00  }
0x57: {  	_ =	swait.ge @!p0 [sflag:s6], $0x400  }
0x58: {  	[sflag:s6] =	ssyncset.done @!p0 $0x0  }
0x59: {  	[sflag:s6] =	ssyncadd.s32 @!p0 $0xFFFFFC00  }
0x5a: {  	_ =	swait.ge @!p0 [sflag:s6], $0x400  }
0x5b: {  	[sflag:s6] =	ssyncset.done @!p0 $0x0  }
0x5c: {  	[sflag:s6] =	ssyncadd.s32 @!p0 $0xFFFFFC00  }
0x5d: {  	_ =	swait.ge @!p0 [sflag:s6], $0x400  }
0x5e: {  	[sflag:s6] =	ssyncset.done @!p0 $0x0  }
0x5f: {  	[sflag:s6] =	ssyncadd.s32 @!p0 $0xFFFFFC00  }
0x60: {  	_ =	swait.ge @!p0 [sflag:s6], $0x400  }
0x61: {  	[sflag:s6] =	ssyncset.done @!p0 $0x0  }
0x62: {  	[sflag:s6] =	ssyncadd.s32 @!p0 $0xFFFFFC00  }
0x63: {  	s14 =	simm.s32 $0x0;
	_ =	swait.ge @!p0 [sflag:s6], $0x400  }
0x64: {  	s18 =	simm.s32 $0x1;
	s15 =	simm.s32 $0x2;
	[sflag:s6] =	ssyncset.done @!p0 $0x0  }
0x65: {  	s21 =	simm.s32 $0x3;
	v33 =	vmov s14;
	v34 =	vmov s18;
	v35 =	vmov s15;
	s15 =	simm.s32 $0x4;
	[sflag:s6] =	ssyncadd.s32 @!p0 $0xFFFFFC00  }
0x66: {  	s18 =	simm.s32 $0x7;
	v36 =	vmov s21;
	s21 =	simm.s32 $0x5;
	v33 =	vshrl.u32 v33, $0x3;
	v37 =	vmov s15;
	_ =	swait.ge @!p0 [sflag:s6], $0x400  }
0x67: {  	v38 =	vmov s18;
	v39 =	vmov s21;
	v34 =	vshrl.u32 v34, $0x3;
	[sflag:s6] =	ssyncset.done @!p0 $0x0  }
0x68: {  	s18 =	simm.s32 $0x6;
	v35 =	vshrl.u32 v35, $0x3;
	v36 =	vshrl.u32 v36, $0x3;
	v38 =	vshrl.u32 v38, $0x3;
	[sflag:s6] =	ssyncadd.s32 @!p0 $0xFFFFFC00  }
0x69: {  	v33 =	vshll.u32 v33, v1;
	v40 =	vmov s18;
	v38 =	vshll.u32 v38, v1;
	_ =	swait.ge @!p0 [sflag:s6], $0x400  }
0x6a: {  	v37 =	vshrl.u32 v37, $0x3;
	v34 =	vshll.u32 v34, v1;
	v38 =	vbroadcast v38, $0x0;
	[sflag:s6] =	ssyncset.done @!p0 $0x0  }
0x6b: {  	s14 =	simm.s32 $0x1A00;
	v51 =	vshll.u32 v35, v1;
	v52 =	vshll.u32 v36, v1;
	v33 =	vbroadcast v33, $0x0;
	[sflag:s6] =	ssyncadd.s32 @!p0 $0xFFFFFC00  }
0x6c: {  	v55 =	vshrl.u32 v39, $0x3;
	v47 =	vbroadcast v34, $0x0;
	v42 =	vadd.s32 v29, v38;
	v41 =	vld [tilespmem:s14+$0xC0]  }
0x6d: {  	v53 =	vbroadcast v51, $0x0;
	v35 =	vbroadcast v52, $0x0;
	v44 =	vadd.s32 v0, v33;
	v43 =	vld [tilespmem:s14+$0xFFFFFF00]  }
0x6e: {  	v54 =	vshll.u32 v37, v1;
	v36 =	vshll.u32 v55, v1;
	v46 =	vadd.s32 v5, v47;
	v45 =	vld [tilespmem:s14+$0xFFFFFF40]  }
0x6f: {  	v40 =	vshrl.u32 v40, $0x3;
	v34 =	vbroadcast v54, $0x0;
	v49 =	vadd.s32 v9, v53;
	v48 =	vld [tilespmem:s14+$0xFFFFFF80]  }
0x70: {  	v37 =	vbroadcast v36, $0x0;
	v56 =	vshll.u32 v40, v1;
	v50 =	vadd.s32 v13, v35;
	v39 =	vld [tilespmem:s14+$0xFFFFFFC0]  }
0x71: {  	v36 =	vbroadcast v56, $0x0;
	v52 =	vadd.s32 v17, v34;
	v51 =	vld [tilespmem:s14+$0x0];
	[tilespmem:v42+s20+$0x0] =	vst.idx.msk $0xffff, v41  }
0x72: {  	v60 =	vadd.s32 v21, v37;
	v59 =	vld [tilespmem:s14+$0x40];
	[tilespmem:v44+s20+$0x0] =	vst.idx.msk $0xffff, v43  }
0x73: {  	v62 =	vadd.s32 v25, v36;
	v61 =	vld [tilespmem:s14+$0x80];
	[tilespmem:v46+s20+$0x0] =	vst.idx.msk $0xffff, v45  }
0x74: {  	v58 =	vadd.s32 v30, v38;
	[tilespmem:v49+s20+$0x0] =	vst.idx.msk $0xffff, v48;
	v57 =	vld [tilespmem:s14+$0xD0]  }
0x75: {  	v63 =	vadd.s32 v6, v47;
	[tilespmem:v50+s20+$0x0] =	vst.idx.msk $0xffff, v39;
	v46 =	vld [tilespmem:s14+$0xFFFFFF50]  }
0x76: {  	v55 =	vadd.s32 v10, v53;
	[tilespmem:v52+s20+$0x0] =	vst.idx.msk $0xffff, v51;
	v54 =	vld [tilespmem:s14+$0xFFFFFF90]  }
0x77: {  	v56 =	vadd.s32 v14, v35;
	[tilespmem:v60+s20+$0x0] =	vst.idx.msk $0xffff, v59;
	v50 =	vld [tilespmem:s14+$0xFFFFFFD0]  }
0x78: {  	[tilespmem:v62+s20+$0x0] =	vst.idx.msk $0xffff, v61;
	v45 =	vadd.s32 v22, v37;
	v44 =	vld [tilespmem:s14+$0x50]  }
0x79: {  	v59 =	vadd.s32 v18, v34;
	[tilespmem:v58+s20+$0x0] =	vst.idx.msk $0xffff, v57;
	v58 =	vld [tilespmem:s14+$0x10]  }
0x7a: {  	v57 =	vadd.s32 v31, v38;
	[tilespmem:v63+s20+$0x0] =	vst.idx.msk $0xffff, v46;
	v40 =	vld [tilespmem:s14+$0xE0]  }
0x7b: {  	v62 =	vadd.s32 v2, v33;
	v61 =	vld [tilespmem:s14+$0xFFFFFF10];
	[tilespmem:v55+s20+$0x0] =	vst.idx.msk $0xffff, v54  }
0x7c: {  	v60 =	vadd.s32 v26, v36;
	v63 =	vld [tilespmem:s14+$0x90];
	[tilespmem:v56+s20+$0x0] =	vst.idx.msk $0xffff, v50  }
0x7d: {  	v51 =	vadd.s32 v7, v47;
	[tilespmem:v45+s20+$0x0] =	vst.idx.msk $0xffff, v44;
	v50 =	vld [tilespmem:s14+$0xFFFFFF60]  }
0x7e: {  	v56 =	vadd.s32 v11, v53;
	v55 =	vld [tilespmem:s14+$0xFFFFFFA0];
	[tilespmem:v59+s20+$0x0] =	vst.idx.msk $0xffff, v58  }
0x7f: {  	v58 =	vadd.s32 v15, v35;
	[tilespmem:v57+s20+$0x0] =	vst.idx.msk $0xffff, v40;
	v57 =	vld [tilespmem:s14+$0xFFFFFFE0]  }
0x80: {  	v38 =	vadd.s32 v32, v38;
	[tilespmem:v62+s20+$0x0] =	vst.idx.msk $0xffff, v61;
	v54 =	vld [tilespmem:s14+$0xF0]  }
0x81: {  	s15 =	simm.s32 $0x9;
	[tilespmem:v60+s20+$0x0] =	vst.idx.msk $0xffff, v63;
	v60 =	vadd.s32 v19, v34;
	v59 =	vld [tilespmem:s14+$0x20]  }
0x82: {  	s21 =	simm.s32 $0x8;
	v41 =	vadd.s32 v23, v37;
	v52 =	vmov s15;
	[tilespmem:v51+s20+$0x0] =	vst.idx.msk $0xffff, v50;
	v40 =	vld [tilespmem:s14+$0x60]  }
0x83: {  	v43 =	vadd.s32 v27, v36;
	s15 =	simm.s32 $0xC;
	v48 =	vadd.s32 v3, v33;
	v63 =	vmov s21;
	v42 =	vld [tilespmem:s14+$0xA0];
	[tilespmem:v56+s20+$0x0] =	vst.idx.msk $0xffff, v55  }
0x84: {  	s18 =	simm.s32 $0xA;
	v46 =	vmov s15;
	v53 =	vadd.s32 v12, v53;
	v45 =	vld [tilespmem:s14+$0xFFFFFF20];
	s21 =	simm.s32 $0xB;
	v39 =	vshrl.u32 v63, $0x3;
	[tilespmem:v58+s20+$0x0] =	vst.idx.msk $0xffff, v57  }
0x85: {  	v44 =	vmov s21;
	s21 =	simm.s32 $0xE;
	v51 =	vadd.s32 v8, v47;
	v49 =	vld [tilespmem:s14+$0xFFFFFF70];
	[tilespmem:v38+s20+$0x0] =	vst.idx.msk $0xffff, v54;
	v54 =	vmov s18;
	s18 =	simm.s32 $0xD  }
0x86: {  	s6 =	sshll.u32 s0, $0x1;
	s15 =	simm.s32 $0x10;
	v47 =	vshll.u32 v39, v1;
	v39 =	vmov s21;
	v50 =	vld [tilespmem:s14+$0xFFFFFFB0];
	[tilespmem:v60+s20+$0x0] =	vst.idx.msk $0xffff, v59;
	v38 =	vmov s18;
	s18 =	simm.s32 $0xF  }
.LBB2_3:
0x87: {  	p1 =	slt.u32 s15, $0x78;
	v52 =	vshrl.u32 v52, $0x3;
	v55 =	vmov s18;
	v56 =	vld [tilespmem:s14+$0xFFFFFFF0];
	v35 =	vadd.s32 v16, v35;
	[tilespmem:v41+s20+$0x0] =	vst.idx.msk $0xffff, v40  }
0x88: {  	v40 =	vshrl.u32 v54, $0x3;
	v34 =	vadd.s32 v20, v34;
	v41 =	vshrl.u32 v55, $0x3;
	v54 =	vld [tilespmem:s14+$0x30];
	[tilespmem:v43+s20+$0x0] =	vst.idx.msk $0xffff, v42  }
0x89: {  	v37 =	vadd.s32 v24, v37;
	v42 =	vshrl.u32 v44, $0x3;
	v41 =	vshll.u32 v41, v1;
	[tilespmem:v48+s20+$0x0] =	vst.idx.msk $0xffff, v45;
	v43 =	vld [tilespmem:s14+$0x70]  }
0x8a: {  	v36 =	vadd.s32 v28, v36;
	v44 =	vshrl.u32 v46, $0x3;
	v41 =	vbroadcast v41, $0x0;
	[tilespmem:v51+s20+$0x0] =	vst.idx.msk $0xffff, v49;
	v45 =	vld [tilespmem:s14+$0xB0]  }
0x8b: {  	v46 =	vshll.u32 v52, v1;
	v49 =	vadd.s32 v4, v33;
	v33 =	vbroadcast v47, $0x0;
	v48 =	vld [tilespmem:s14+$0xFFFFFF30];
	[tilespmem:v53+s20+$0x0] =	vst.idx.msk $0xffff, v50;
	s14 =	sadd.s32 $0x200, s14  }
0x8c: {  	v40 =	vshll.u32 v40, v1;
	v47 =	vbroadcast v46, $0x0;
	v46 =	vld [tilespmem:s14+$0xC0];
	v50 =	vadd.s32 v29, v41;
	[tilespmem:v35+s20+$0x0] =	vst.idx.msk $0xffff, v56  }
0x8d: {  	v53 =	vbroadcast v40, $0x0;
	v52 =	vadd.s32 v0, v33;
	v35 =	vshll.u32 v42, v1;
	v51 =	vld [tilespmem:s14+$0xFFFFFF00];
	[tilespmem:v34+s20+$0x0] =	vst.idx.msk $0xffff, v54  }
0x8e: {  	v42 =	vadd.s32 v5, v47;
	v35 =	vbroadcast v35, $0x0;
	v34 =	vshll.u32 v44, v1;
	v40 =	vld [tilespmem:s14+$0xFFFFFF40];
	[tilespmem:v37+s20+$0x0] =	vst.idx.msk $0xffff, v43  }
0x8f: {  	v44 =	vadd.s32 v9, v53;
	v34 =	vbroadcast v34, $0x0;
	v37 =	vshrl.u32 v38, $0x3;
	v43 =	vld [tilespmem:s14+$0xFFFFFF80];
	[tilespmem:v36+s20+$0x0] =	vst.idx.msk $0xffff, v45  }
0x90: {  	v39 =	vshrl.u32 v39, $0x3;
	v45 =	vadd.s32 v13, v35;
	v36 =	vshll.u32 v37, v1;
	v38 =	vld [tilespmem:s14+$0xFFFFFFC0];
	[tilespmem:v49+s20+$0x0] =	vst.idx.msk $0xffff, v48  }
0x91: {  	v49 =	vadd.s32 v17, v34;
	v37 =	vbroadcast v36, $0x0;
	v36 =	vshll.u32 v39, v1;
	v48 =	vld [tilespmem:s14+$0x0];
	[tilespmem:v50+s20+$0x0] =	vst.idx.msk $0xffff, v46  }
0x92: {  	v36 =	vbroadcast v36, $0x0;
	v46 =	vadd.s32 v30, v41;
	[tilespmem:v52+s20+$0x0] =	vst.idx.msk $0xffff, v51;
	v39 =	vld [tilespmem:s14+$0xD0]  }
0x93: {  	[tilespmem:v42+s20+$0x0] =	vst.idx.msk $0xffff, v40;
	v40 =	vld [tilespmem:s14+$0x40];
	v42 =	vadd.s32 v21, v37  }
0x94: {  	[tilespmem:v44+s20+$0x0] =	vst.idx.msk $0xffff, v43;
	v43 =	vld [tilespmem:s14+$0x80];
	v44 =	vadd.s32 v25, v36  }
0x95: {  	v51 =	vadd.s32 v6, v47;
	v50 =	vld [tilespmem:s14+$0xFFFFFF50];
	[tilespmem:v45+s20+$0x0] =	vst.idx.msk $0xffff, v38  }
0x96: {  	v45 =	vadd.s32 v10, v53;
	v38 =	vld [tilespmem:s14+$0xFFFFFF90];
	[tilespmem:v49+s20+$0x0] =	vst.idx.msk $0xffff, v48  }
0x97: {  	v49 =	vadd.s32 v14, v35;
	v48 =	vld [tilespmem:s14+$0xFFFFFFD0];
	[tilespmem:v46+s20+$0x0] =	vst.idx.msk $0xffff, v39  }
0x98: {  	[tilespmem:v42+s20+$0x0] =	vst.idx.msk $0xffff, v40;
	v39 =	vld [tilespmem:s14+$0xE0];
	v40 =	vadd.s32 v31, v41  }
0x99: {  	v46 =	vadd.s32 v18, v34;
	v42 =	vld [tilespmem:s14+$0x10];
	[tilespmem:v44+s20+$0x0] =	vst.idx.msk $0xffff, v43  }
0x9a: {  	v44 =	vadd.s32 v22, v37;
	[tilespmem:v51+s20+$0x0] =	vst.idx.msk $0xffff, v50;
	v43 =	vld [tilespmem:s14+$0x50]  }
0x9b: {  	[tilespmem:v45+s20+$0x0] =	vst.idx.msk $0xffff, v38;
	v38 =	vld [tilespmem:s14+$0x90];
	v45 =	vadd.s32 v26, v36  }
0x9c: {  	v51 =	vadd.s32 v2, v33;
	v50 =	vld [tilespmem:s14+$0xFFFFFF10];
	[tilespmem:v49+s20+$0x0] =	vst.idx.msk $0xffff, v48  }
0x9d: {  	v49 =	vadd.s32 v7, v47;
	v48 =	vld [tilespmem:s14+$0xFFFFFF60];
	[tilespmem:v40+s20+$0x0] =	vst.idx.msk $0xffff, v39  }
0x9e: {  	[tilespmem:v46+s20+$0x0] =	vst.idx.msk $0xffff, v42;
	v39 =	vld [tilespmem:s14+$0xF0];
	v46 =	vadd.s32 v32, v41  }
0x9f: {  	v56 =	vadd.s32 v11, v53;
	v55 =	vld [tilespmem:s14+$0xFFFFFFA0];
	[tilespmem:v44+s20+$0x0] =	vst.idx.msk $0xffff, v43  }
0xa0: {  	v58 =	vadd.s32 v15, v35;
	v57 =	vld [tilespmem:s14+$0xFFFFFFE0];
	[tilespmem:v45+s20+$0x0] =	vst.idx.msk $0xffff, v38  }
0xa1: {  	v60 =	vadd.s32 v19, v34;
	[tilespmem:v51+s20+$0x0] =	vst.idx.msk $0xffff, v50;
	v59 =	vld [tilespmem:s14+$0x20]  }
.Ltmp2:
0xa2: {  	s18 =	sadd.s32 $0x1, s15;
	v41 =	vadd.s32 v23, v37;
	v38 =	vmov s15;
	[tilespmem:v49+s20+$0x0] =	vst.idx.msk $0xffff, v48;
	v40 =	vld [tilespmem:s14+$0x60];
	(pc) =	sbr.rel @p1 .LBB2_3-.Ltmp2, $4  }
0xa3: {  	s21 =	sadd.s32 $0x3, s15;
	v52 =	vmov s18;
	s18 =	sadd.s32 $0x2, s15;
	v43 =	vadd.s32 v27, v36;
	v50 =	vshrl.u32 v38, $0x3;
	v42 =	vld [tilespmem:s14+$0xA0];
	[tilespmem:v46+s20+$0x0] =	vst.idx.msk $0xffff, v39  }
0xa4: {  	v54 =	vmov s18;
	s18 =	sadd.s32 $0x4, s15;
	v44 =	vmov s21;
	s21 =	sadd.s32 $0x5, s15;
	v48 =	vadd.s32 v3, v33;
	v45 =	vld [tilespmem:s14+$0xFFFFFF20];
	[tilespmem:v56+s20+$0x0] =	vst.idx.msk $0xffff, v55  }
0xa5: {  	v38 =	vmov s21;
	v51 =	vadd.s32 v8, v47;
	v46 =	vmov s18;
	s18 =	sadd.s32 $0x6, s15;
	v49 =	vld [tilespmem:s14+$0xFFFFFF70];
	[tilespmem:v58+s20+$0x0] =	vst.idx.msk $0xffff, v57  }
0xa6: {  	v53 =	vadd.s32 v12, v53;
	v47 =	vshll.u32 v50, v1;
	v39 =	vmov s18;
	s18 =	sadd.s32 $0x7, s15;
	s15 =	sadd.s32 $0x8, s15;
	v50 =	vld [tilespmem:s14+$0xFFFFFFB0];
	[tilespmem:v60+s20+$0x0] =	vst.idx.msk $0xffff, v59  }
0xa7: {  	_ =	sdelay $0x2  }
0xa8: {  	v52 =	vshrl.u32 v52, $0x3  }
0xa9: {  	v55 =	vmov s18;
	v56 =	vld [tilespmem:s14+$0xFFFFFFF0];
	v35 =	vadd.s32 v16, v35;
	[tilespmem:v41+s20+$0x0] =	vst.idx.msk $0xffff, v40;
	v34 =	vadd.s32 v20, v34  }
0xaa: {  	v61 =	vshrl.u32 v54, $0x3;
	v63 =	vld [tilespmem:s14+$0x30];
	v37 =	vadd.s32 v24, v37;
	v36 =	vadd.s32 v28, v36;
	[tilespmem:v43+s20+$0x0] =	vst.idx.msk $0xffff, v42  }
0xab: {  	v33 =	vadd.s32 v4, v33;
	v62 =	vshrl.u32 v55, $0x3;
	v55 =	vshrl.u32 v44, $0x3;
	v43 =	vld [tilespmem:s14+$0x70];
	[tilespmem:v48+s20+$0x0] =	vst.idx.msk $0xffff, v45  }
0xac: {  	v44 =	vshrl.u32 v46, $0x3;
	v46 =	vbroadcast v47, $0x0;
	v41 =	vshll.u32 v62, v1;
	v45 =	vld [tilespmem:s14+$0xB0];
	[tilespmem:v51+s20+$0x0] =	vst.idx.msk $0xffff, v49  }
0xad: {  	s15 =	sadd.s32 $0x200, s14;
	v38 =	vshrl.u32 v38, $0x3;
	v40 =	vshll.u32 v61, v1;
	v41 =	vbroadcast v41, $0x0;
	v48 =	vld [tilespmem:s14+$0xFFFFFF30];
	[tilespmem:v53+s20+$0x0] =	vst.idx.msk $0xffff, v50  }
0xae: {  	v57 =	vshll.u32 v52, v1;
	v60 =	vld [tilespmem:s15+$0xFFFFFF00];
	v40 =	vbroadcast v40, $0x0;
	v61 =	vadd.s32 v0, v46;
	[tilespmem:v35+s20+$0x0] =	vst.idx.msk $0xffff, v56  }
0xaf: {  	v58 =	vld [tilespmem:s15+$0xC0];
	v47 =	vbroadcast v57, $0x0;
	v42 =	vshll.u32 v55, v1;
	v59 =	vadd.s32 v29, v41;
	[tilespmem:v34+s20+$0x0] =	vst.idx.msk $0xffff, v63  }
0xb0: {  	v54 =	vld [tilespmem:s15+$0xFFFFFF80];
	v44 =	vshll.u32 v44, v1;
	v42 =	vbroadcast v42, $0x0;
	v55 =	vadd.s32 v9, v40;
	[tilespmem:v37+s20+$0x0] =	vst.idx.msk $0xffff, v43  }
0xb1: {  	v38 =	vshll.u32 v38, v1;
	v62 =	vld [tilespmem:s15+$0xFFFFFF40];
	v44 =	vbroadcast v44, $0x0;
	v63 =	vadd.s32 v5, v47;
	[tilespmem:v36+s20+$0x0] =	vst.idx.msk $0xffff, v45  }
0xb2: {  	v39 =	vshrl.u32 v39, $0x3;
	v38 =	vbroadcast v38, $0x0;
	v36 =	vld [tilespmem:s15+$0xFFFFFFC0];
	v45 =	vadd.s32 v13, v42;
	[tilespmem:v33+s20+$0x0] =	vst.idx.msk $0xffff, v48  }
0xb3: {  	v39 =	vshll.u32 v39, v1;
	v33 =	vld [tilespmem:s15+$0x0];
	v48 =	vadd.s32 v17, v44;
	[tilespmem:v61+s20+$0x0] =	vst.idx.msk $0xffff, v60  }
0xb4: {  	v35 =	vbroadcast v39, $0x0;
	[tilespmem:v59+s20+$0x0] =	vst.idx.msk $0xffff, v58;
	v58 =	vld [tilespmem:s15+$0x40];
	v59 =	vadd.s32 v21, v38  }
0xb5: {  	v57 =	vadd.s32 v30, v41;
	[tilespmem:v55+s20+$0x0] =	vst.idx.msk $0xffff, v54;
	v56 =	vld [tilespmem:s15+$0xD0]  }
0xb6: {  	v60 =	vld [tilespmem:s15+$0x80];
	v61 =	vadd.s32 v25, v35;
	[tilespmem:v63+s20+$0x0] =	vst.idx.msk $0xffff, v62  }
0xb7: {  	v55 =	vadd.s32 v10, v40;
	v54 =	vld [tilespmem:s15+$0xFFFFFF90];
	[tilespmem:v45+s20+$0x0] =	vst.idx.msk $0xffff, v36  }
0xb8: {  	v63 =	vadd.s32 v6, v47;
	v62 =	vld [tilespmem:s15+$0xFFFFFF50];
	[tilespmem:v48+s20+$0x0] =	vst.idx.msk $0xffff, v33  }
0xb9: {  	v33 =	vld [tilespmem:s15+$0xFFFFFFD0];
	v48 =	vadd.s32 v14, v42;
	[tilespmem:v59+s20+$0x0] =	vst.idx.msk $0xffff, v58  }
0xba: {  	[tilespmem:v57+s20+$0x0] =	vst.idx.msk $0xffff, v56;
	v56 =	vld [tilespmem:s15+$0x10];
	v57 =	vadd.s32 v18, v44  }
0xbb: {  	[tilespmem:v61+s20+$0x0] =	vst.idx.msk $0xffff, v60;
	v59 =	vadd.s32 v22, v38;
	v58 =	vld [tilespmem:s15+$0x50]  }
0xbc: {  	v39 =	vadd.s32 v31, v41;
	[tilespmem:v55+s20+$0x0] =	vst.idx.msk $0xffff, v54;
	v34 =	vld [tilespmem:s15+$0xE0]  }
0xbd: {  	v61 =	vadd.s32 v26, v35;
	v60 =	vld [tilespmem:s15+$0x90];
	[tilespmem:v63+s20+$0x0] =	vst.idx.msk $0xffff, v62  }
0xbe: {  	v62 =	vld [tilespmem:s15+$0xFFFFFF10];
	v63 =	vadd.s32 v2, v46;
	[tilespmem:v48+s20+$0x0] =	vst.idx.msk $0xffff, v33  }
0xbf: {  	v55 =	vadd.s32 v7, v47;
	v54 =	vld [tilespmem:s15+$0xFFFFFF60];
	[tilespmem:v57+s20+$0x0] =	vst.idx.msk $0xffff, v56  }
0xc0: {  	v56 =	vadd.s32 v32, v41;
	v41 =	vld [tilespmem:s15+$0xFFFFFFA0];
	v57 =	vadd.s32 v11, v40;
	[tilespmem:v59+s20+$0x0] =	vst.idx.msk $0xffff, v58  }
0xc1: {  	v37 =	vld [tilespmem:s15+$0xFFFFFFE0];
	v58 =	vadd.s32 v15, v42;
	[tilespmem:v39+s20+$0x0] =	vst.idx.msk $0xffff, v34  }
0xc2: {  	[tilespmem:v61+s20+$0x0] =	vst.idx.msk $0xffff, v60;
	v34 =	vld [tilespmem:s15+$0xF0]  }
0xc3: {  	v60 =	vadd.s32 v19, v44;
	[tilespmem:v63+s20+$0x0] =	vst.idx.msk $0xffff, v62;
	v59 =	vld [tilespmem:s15+$0x20]  }
0xc4: {  	v62 =	vadd.s32 v23, v38;
	[tilespmem:v55+s20+$0x0] =	vst.idx.msk $0xffff, v54;
	v61 =	vld [tilespmem:s15+$0x60]  }
0xc5: {  	v63 =	vld [tilespmem:s15+$0xA0];
	v54 =	vadd.s32 v27, v35;
	[tilespmem:v57+s20+$0x0] =	vst.idx.msk $0xffff, v41  }
0xc6: {  	v47 =	vadd.s32 v8, v47;
	v57 =	vld [tilespmem:s15+$0xFFFFFF70];
	[tilespmem:v58+s20+$0x0] =	vst.idx.msk $0xffff, v37  }
0xc7: {  	v55 =	vld [tilespmem:s15+$0xFFFFFF20];
	[tilespmem:v56+s20+$0x0] =	vst.idx.msk $0xffff, v34;
	v56 =	vadd.s32 v3, v46  }
0xc8: {  	v40 =	vadd.s32 v12, v40;
	v58 =	vld [tilespmem:s15+$0xFFFFFFB0];
	[tilespmem:v60+s20+$0x0] =	vst.idx.msk $0xffff, v59  }
0xc9: {  	v42 =	vadd.s32 v16, v42;
	v59 =	vld [tilespmem:s15+$0xFFFFFFF0];
	[tilespmem:v62+s20+$0x0] =	vst.idx.msk $0xffff, v61  }
0xca: {  	v61 =	vadd.s32 v20, v44;
	[tilespmem:v54+s20+$0x0] =	vst.idx.msk $0xffff, v63;
	v60 =	vld [tilespmem:s15+$0x30]  }
0xcb: {  	v38 =	vadd.s32 v24, v38;
	v62 =	vld [tilespmem:s15+$0x70];
	[tilespmem:v47+s20+$0x0] =	vst.idx.msk $0xffff, v57  }
0xcc: {  	v35 =	vadd.s32 v28, v35;
	v63 =	vld [tilespmem:s15+$0xB0];
	[tilespmem:v56+s20+$0x0] =	vst.idx.msk $0xffff, v55  }
0xcd: {  	v49 =	vadd.s32 v4, v46;
	[tilespmem:v40+s20+$0x0] =	vst.idx.msk $0xffff, v58;
	v48 =	vld [tilespmem:s15+$0xFFFFFF30]  }
0xce: {  	s18 =	sadd.s32 s5, s6;
	[tilespmem:v42+s20+$0x0] =	vst.idx.msk $0xffff, v59  }
0xcf: {  	s14 =	sshll.u32 s18, $0x7;
	[tilespmem:v61+s20+$0x0] =	vst.idx.msk $0xffff, v60;
	s15 =	sshll.u32 s18, $0xA  }
0xd0: {  	s14 =	sand.u32 $0xF00, s14;
	[tilespmem:v38+s20+$0x0] =	vst.idx.msk $0xffff, v62;
	s15 =	sand.u32 $0xFFF8000, s15  }
0xd1: {  	[tilespmem:v35+s20+$0x0] =	vst.idx.msk $0xffff, v63;
	s14 =	sor.u32 s14, s15  }
0xd2: {  	s15 =	sadd.s32 s2, s14;
	[tilespmem:v49+s20+$0x0] =	vst.idx.msk $0xffff, v48  }
0xd3: {  	[hbm4b:s15+s3] =	stream.linear.scatter [tilespmem:s20], [sflag:$0x3], $0x80, $0x38;
	[tilespmem:$0x9D00] =	vst v63  }
0xd4: {  	s21 =	simm.s32 $0x5988;
	s18 =	sadd.s32 $0x10, s15  }
0xd5: {  	[hbm4b:s18+s3] =	stream.linear.scatter [tilespmem:s21], [sflag:$0x3], $0x80, $0x38;
	[tilespmem:$0x9D00] =	vst v63  }
0xd6: {  	s18 =	sadd.s32 $0x20, s15;
	s21 =	simm.s32 $0x5A10  }
0xd7: {  	[hbm4b:s18+s3] =	stream.linear.scatter [tilespmem:s21], [sflag:$0x3], $0x80, $0x38;
	[tilespmem:$0x9D00] =	vst v63  }
0xd8: {  	s18 =	sadd.s32 $0x30, s15;
	s21 =	simm.s32 $0x5A98  }
0xd9: {  	[hbm4b:s18+s3] =	stream.linear.scatter [tilespmem:s21], [sflag:$0x3], $0x80, $0x38;
	[tilespmem:$0x9D00] =	vst v63  }
0xda: {  	s18 =	sadd.s32 $0x40, s15;
	s21 =	simm.s32 $0x5B20  }
0xdb: {  	[hbm4b:s18+s3] =	stream.linear.scatter [tilespmem:s21], [sflag:$0x3], $0x80, $0x38;
	[tilespmem:$0x9D00] =	vst v63  }
0xdc: {  	s18 =	sadd.s32 $0x50, s15;
	s21 =	simm.s32 $0x5BA8  }
0xdd: {  	[hbm4b:s18+s3] =	stream.linear.scatter [tilespmem:s21], [sflag:$0x3], $0x80, $0x38;
	[tilespmem:$0x9D00] =	vst v63  }
0xde: {  	s18 =	sadd.s32 $0x60, s15;
	s21 =	simm.s32 $0x5C30  }
0xdf: {  	[hbm4b:s18+s3] =	stream.linear.scatter [tilespmem:s21], [sflag:$0x3], $0x80, $0x38;
	[tilespmem:$0x9D00] =	vst v63  }
0xe0: {  	s15 =	sadd.s32 $0x70, s15;
	s21 =	simm.s32 $0x5CB8  }
0xe1: {  	[hbm4b:s15+s3] =	stream.linear.scatter [tilespmem:s21], [sflag:$0x3], $0x80, $0x38;
	[tilespmem:$0x9D00] =	vst v63  }
0xe2: {  	s15 =	sadd.s32 s14, s7;
	s21 =	simm.s32 $0x5D40  }
0xe3: {  	[hbm4b:s15+s3] =	stream.linear.scatter [tilespmem:s21], [sflag:$0x3], $0x80, $0x38;
	[tilespmem:$0x9D00] =	vst v63  }
0xe4: {  	s18 =	sadd.s32 $0x10, s15;
	s21 =	simm.s32 $0x5DC8  }
0xe5: {  	[hbm4b:s18+s3] =	stream.linear.scatter [tilespmem:s21], [sflag:$0x3], $0x80, $0x38;
	[tilespmem:$0x9D00] =	vst v63  }
0xe6: {  	s18 =	sadd.s32 $0x20, s15;
	s21 =	simm.s32 $0x5E50  }
0xe7: {  	[hbm4b:s18+s3] =	stream.linear.scatter [tilespmem:s21], [sflag:$0x3], $0x80, $0x38;
	[tilespmem:$0x9D00] =	vst v63  }
0xe8: {  	s18 =	sadd.s32 $0x30, s15;
	s21 =	simm.s32 $0x5ED8  }
0xe9: {  	[hbm4b:s18+s3] =	stream.linear.scatter [tilespmem:s21], [sflag:$0x3], $0x80, $0x38;
	[tilespmem:$0x9D00] =	vst v63  }
0xea: {  	s18 =	sadd.s32 $0x40, s15;
	s21 =	simm.s32 $0x5F60  }
0xeb: {  	[hbm4b:s18+s3] =	stream.linear.scatter [tilespmem:s21], [sflag:$0x3], $0x80, $0x38;
	[tilespmem:$0x9D00] =	vst v63  }
0xec: {  	s18 =	sadd.s32 $0x50, s15;
	s21 =	simm.s32 $0x5FE8  }
0xed: {  	[hbm4b:s18+s3] =	stream.linear.scatter [tilespmem:s21], [sflag:$0x3], $0x80, $0x38;
	[tilespmem:$0x9D00] =	vst v63  }
0xee: {  	s18 =	sadd.s32 $0x60, s15;
	s21 =	simm.s32 $0x6070  }
0xef: {  	[hbm4b:s18+s3] =	stream.linear.scatter [tilespmem:s21], [sflag:$0x3], $0x80, $0x38;
	[tilespmem:$0x9D00] =	vst v63  }
0xf0: {  	s15 =	sadd.s32 $0x70, s15;
	s21 =	simm.s32 $0x60F8  }
0xf1: {  	[hbm4b:s15+s3] =	stream.linear.scatter [tilespmem:s21], [sflag:$0x3], $0x80, $0x38;
	[tilespmem:$0x9D00] =	vst v63  }
0xf2: {  	s15 =	sadd.s32 s14, s8;
	s21 =	simm.s32 $0x6180  }
0xf3: {  	[hbm4b:s15+s3] =	stream.linear.scatter [tilespmem:s21], [sflag:$0x3], $0x80, $0x38;
	[tilespmem:$0x9D00] =	vst v63  }
0xf4: {  	s18 =	sadd.s32 $0x10, s15;
	s21 =	simm.s32 $0x6208  }
0xf5: {  	[hbm4b:s18+s3] =	stream.linear.scatter [tilespmem:s21], [sflag:$0x3], $0x80, $0x38;
	[tilespmem:$0x9D00] =	vst v63  }
0xf6: {  	s18 =	sadd.s32 $0x20, s15;
	s21 =	simm.s32 $0x6290  }
0xf7: {  	[hbm4b:s18+s3] =	stream.linear.scatter [tilespmem:s21], [sflag:$0x3], $0x80, $0x38;
	[tilespmem:$0x9D00] =	vst v63  }
0xf8: {  	s18 =	sadd.s32 $0x30, s15;
	s21 =	simm.s32 $0x6318  }
0xf9: {  	[hbm4b:s18+s3] =	stream.linear.scatter [tilespmem:s21], [sflag:$0x3], $0x80, $0x38;
	[tilespmem:$0x9D00] =	vst v63  }
0xfa: {  	s18 =	sadd.s32 $0x40, s15;
	s21 =	simm.s32 $0x63A0  }
0xfb: {  	[hbm4b:s18+s3] =	stream.linear.scatter [tilespmem:s21], [sflag:$0x3], $0x80, $0x38;
	[tilespmem:$0x9D00] =	vst v63  }
0xfc: {  	s18 =	sadd.s32 $0x50, s15;
	s21 =	simm.s32 $0x6428  }
0xfd: {  	[hbm4b:s18+s3] =	stream.linear.scatter [tilespmem:s21], [sflag:$0x3], $0x80, $0x38;
	[tilespmem:$0x9D00] =	vst v63  }
0xfe: {  	s18 =	sadd.s32 $0x60, s15;
	s21 =	simm.s32 $0x64B0  }
0xff: {  	[hbm4b:s18+s3] =	stream.linear.scatter [tilespmem:s21], [sflag:$0x3], $0x80, $0x38;
	[tilespmem:$0x9D00] =	vst v63  }
0x100: {  	s15 =	sadd.s32 $0x70, s15;
	s21 =	simm.s32 $0x6538  }
0x101: {  	[hbm4b:s15+s3] =	stream.linear.scatter [tilespmem:s21], [sflag:$0x3], $0x80, $0x38;
	[tilespmem:$0x9D00] =	vst v63  }
0x102: {  	s15 =	sadd.s32 s14, s9;
	s21 =	simm.s32 $0x65C0  }
0x103: {  	[hbm4b:s15+s3] =	stream.linear.scatter [tilespmem:s21], [sflag:$0x3], $0x80, $0x38;
	[tilespmem:$0x9D00] =	vst v63  }
0x104: {  	s18 =	sadd.s32 $0x10, s15;
	s21 =	simm.s32 $0x6648  }
0x105: {  	[hbm4b:s18+s3] =	stream.linear.scatter [tilespmem:s21], [sflag:$0x3], $0x80, $0x38;
	[tilespmem:$0x9D00] =	vst v63  }
0x106: {  	s18 =	sadd.s32 $0x20, s15;
	s21 =	simm.s32 $0x66D0  }
0x107: {  	[hbm4b:s18+s3] =	stream.linear.scatter [tilespmem:s21], [sflag:$0x3], $0x80, $0x38;
	[tilespmem:$0x9D00] =	vst v63  }
0x108: {  	s18 =	sadd.s32 $0x30, s15;
	s21 =	simm.s32 $0x6758  }
0x109: {  	[hbm4b:s18+s3] =	stream.linear.scatter [tilespmem:s21], [sflag:$0x3], $0x80, $0x38;
	[tilespmem:$0x9D00] =	vst v63  }
0x10a: {  	s18 =	sadd.s32 $0x40, s15;
	s21 =	simm.s32 $0x67E0  }
0x10b: {  	[hbm4b:s18+s3] =	stream.linear.scatter [tilespmem:s21], [sflag:$0x3], $0x80, $0x38;
	[tilespmem:$0x9D00] =	vst v63  }
0x10c: {  	s18 =	sadd.s32 $0x50, s15;
	s21 =	simm.s32 $0x6868  }
0x10d: {  	[hbm4b:s18+s3] =	stream.linear.scatter [tilespmem:s21], [sflag:$0x3], $0x80, $0x38;
	[tilespmem:$0x9D00] =	vst v63  }
0x10e: {  	s18 =	sadd.s32 $0x60, s15;
	s21 =	simm.s32 $0x68F0  }
0x10f: {  	[hbm4b:s18+s3] =	stream.linear.scatter [tilespmem:s21], [sflag:$0x3], $0x80, $0x38;
	[tilespmem:$0x9D00] =	vst v63  }
0x110: {  	s15 =	sadd.s32 $0x70, s15;
	s21 =	simm.s32 $0x6978  }
0x111: {  	[hbm4b:s15+s3] =	stream.linear.scatter [tilespmem:s21], [sflag:$0x3], $0x80, $0x38;
	[tilespmem:$0x9D00] =	vst v63  }
0x112: {  	s15 =	sadd.s32 s14, s10;
	s21 =	simm.s32 $0x6A00  }
0x113: {  	[hbm4b:s15+s3] =	stream.linear.scatter [tilespmem:s21], [sflag:$0x3], $0x80, $0x38;
	[tilespmem:$0x9D00] =	vst v63  }
0x114: {  	s18 =	sadd.s32 $0x10, s15;
	s21 =	simm.s32 $0x6A88  }
0x115: {  	[hbm4b:s18+s3] =	stream.linear.scatter [tilespmem:s21], [sflag:$0x3], $0x80, $0x38;
	[tilespmem:$0x9D00] =	vst v63  }
0x116: {  	s18 =	sadd.s32 $0x20, s15;
	s21 =	simm.s32 $0x6B10  }
0x117: {  	[hbm4b:s18+s3] =	stream.linear.scatter [tilespmem:s21], [sflag:$0x3], $0x80, $0x38;
	[tilespmem:$0x9D00] =	vst v63  }
0x118: {  	s18 =	sadd.s32 $0x30, s15;
	s21 =	simm.s32 $0x6B98  }
0x119: {  	[hbm4b:s18+s3] =	stream.linear.scatter [tilespmem:s21], [sflag:$0x3], $0x80, $0x38;
	[tilespmem:$0x9D00] =	vst v63  }
0x11a: {  	s18 =	sadd.s32 $0x40, s15;
	s21 =	simm.s32 $0x6C20  }
0x11b: {  	[hbm4b:s18+s3] =	stream.linear.scatter [tilespmem:s21], [sflag:$0x3], $0x80, $0x38;
	[tilespmem:$0x9D00] =	vst v63  }
0x11c: {  	s18 =	sadd.s32 $0x50, s15;
	s21 =	simm.s32 $0x6CA8  }
0x11d: {  	[hbm4b:s18+s3] =	stream.linear.scatter [tilespmem:s21], [sflag:$0x3], $0x80, $0x38;
	[tilespmem:$0x9D00] =	vst v63  }
0x11e: {  	s18 =	sadd.s32 $0x60, s15;
	s21 =	simm.s32 $0x6D30  }
0x11f: {  	[hbm4b:s18+s3] =	stream.linear.scatter [tilespmem:s21], [sflag:$0x3], $0x80, $0x38;
	[tilespmem:$0x9D00] =	vst v63  }
0x120: {  	s15 =	sadd.s32 $0x70, s15;
	s21 =	simm.s32 $0x6DB8  }
0x121: {  	[hbm4b:s15+s3] =	stream.linear.scatter [tilespmem:s21], [sflag:$0x3], $0x80, $0x38;
	[tilespmem:$0x9D00] =	vst v63  }
0x122: {  	s15 =	sadd.s32 s14, s11;
	s21 =	simm.s32 $0x6E40  }
0x123: {  	[hbm4b:s15+s3] =	stream.linear.scatter [tilespmem:s21], [sflag:$0x3], $0x80, $0x38;
	[tilespmem:$0x9D00] =	vst v63  }
0x124: {  	s18 =	sadd.s32 $0x10, s15;
	s21 =	simm.s32 $0x6EC8  }
0x125: {  	[hbm4b:s18+s3] =	stream.linear.scatter [tilespmem:s21], [sflag:$0x3], $0x80, $0x38;
	[tilespmem:$0x9D00] =	vst v63  }
0x126: {  	s18 =	sadd.s32 $0x20, s15;
	s21 =	simm.s32 $0x6F50  }
0x127: {  	[hbm4b:s18+s3] =	stream.linear.scatter [tilespmem:s21], [sflag:$0x3], $0x80, $0x38;
	[tilespmem:$0x9D00] =	vst v63  }
0x128: {  	s18 =	sadd.s32 $0x30, s15;
	s21 =	simm.s32 $0x6FD8  }
0x129: {  	[hbm4b:s18+s3] =	stream.linear.scatter [tilespmem:s21], [sflag:$0x3], $0x80, $0x38;
	[tilespmem:$0x9D00] =	vst v63  }
0x12a: {  	s18 =	sadd.s32 $0x40, s15;
	s21 =	simm.s32 $0x7060  }
0x12b: {  	[hbm4b:s18+s3] =	stream.linear.scatter [tilespmem:s21], [sflag:$0x3], $0x80, $0x38;
	[tilespmem:$0x9D00] =	vst v63  }
0x12c: {  	s18 =	sadd.s32 $0x50, s15;
	s21 =	simm.s32 $0x70E8  }
0x12d: {  	[hbm4b:s18+s3] =	stream.linear.scatter [tilespmem:s21], [sflag:$0x3], $0x80, $0x38;
	[tilespmem:$0x9D00] =	vst v63  }
0x12e: {  	s18 =	sadd.s32 $0x60, s15;
	s21 =	simm.s32 $0x7170  }
0x12f: {  	[hbm4b:s18+s3] =	stream.linear.scatter [tilespmem:s21], [sflag:$0x3], $0x80, $0x38;
	[tilespmem:$0x9D00] =	vst v63  }
0x130: {  	s15 =	sadd.s32 $0x70, s15;
	s21 =	simm.s32 $0x71F8  }
0x131: {  	[hbm4b:s15+s3] =	stream.linear.scatter [tilespmem:s21], [sflag:$0x3], $0x80, $0x38;
	[tilespmem:$0x9D00] =	vst v63  }
0x132: {  	s15 =	sadd.s32 s14, s12;
	s21 =	simm.s32 $0x7280  }
0x133: {  	[hbm4b:s15+s3] =	stream.linear.scatter [tilespmem:s21], [sflag:$0x3], $0x80, $0x38;
	[tilespmem:$0x9D00] =	vst v63  }
0x134: {  	s18 =	sadd.s32 $0x10, s15;
	s21 =	simm.s32 $0x7308  }
0x135: {  	[hbm4b:s18+s3] =	stream.linear.scatter [tilespmem:s21], [sflag:$0x3], $0x80, $0x38;
	[tilespmem:$0x9D00] =	vst v63  }
0x136: {  	s18 =	sadd.s32 $0x20, s15;
	s21 =	simm.s32 $0x7390  }
0x137: {  	[hbm4b:s18+s3] =	stream.linear.scatter [tilespmem:s21], [sflag:$0x3], $0x80, $0x38;
	[tilespmem:$0x9D00] =	vst v63  }
0x138: {  	s18 =	sadd.s32 $0x30, s15;
	s21 =	simm.s32 $0x7418  }
0x139: {  	[hbm4b:s18+s3] =	stream.linear.scatter [tilespmem:s21], [sflag:$0x3], $0x80, $0x38;
	[tilespmem:$0x9D00] =	vst v63  }
0x13a: {  	s18 =	sadd.s32 $0x40, s15;
	s21 =	simm.s32 $0x74A0  }
0x13b: {  	[hbm4b:s18+s3] =	stream.linear.scatter [tilespmem:s21], [sflag:$0x3], $0x80, $0x38;
	[tilespmem:$0x9D00] =	vst v63  }
0x13c: {  	s18 =	sadd.s32 $0x50, s15;
	s21 =	simm.s32 $0x7528  }
0x13d: {  	[hbm4b:s18+s3] =	stream.linear.scatter [tilespmem:s21], [sflag:$0x3], $0x80, $0x38;
	[tilespmem:$0x9D00] =	vst v63  }
0x13e: {  	s18 =	sadd.s32 $0x60, s15;
	s21 =	simm.s32 $0x75B0  }
0x13f: {  	[hbm4b:s18+s3] =	stream.linear.scatter [tilespmem:s21], [sflag:$0x3], $0x80, $0x38;
	[tilespmem:$0x9D00] =	vst v63  }
0x140: {  	s15 =	sadd.s32 $0x70, s15;
	s21 =	simm.s32 $0x7638  }
0x141: {  	[hbm4b:s15+s3] =	stream.linear.scatter [tilespmem:s21], [sflag:$0x3], $0x80, $0x38;
	[tilespmem:$0x9D00] =	vst v63  }
0x142: {  	s14 =	sadd.s32 s14, s13;
	s21 =	simm.s32 $0x76C0  }
0x143: {  	[hbm4b:s14+s3] =	stream.linear.scatter [tilespmem:s21], [sflag:$0x3], $0x80, $0x38;
	[tilespmem:$0x9D00] =	vst v63  }
0x144: {  	s18 =	sadd.s32 $0x10, s14;
	s21 =	simm.s32 $0x7748  }
0x145: {  	[hbm4b:s18+s3] =	stream.linear.scatter [tilespmem:s21], [sflag:$0x3], $0x80, $0x38;
	[tilespmem:$0x9D00] =	vst v63  }
0x146: {  	s18 =	sadd.s32 $0x20, s14;
	s21 =	simm.s32 $0x77D0  }
0x147: {  	[hbm4b:s18+s3] =	stream.linear.scatter [tilespmem:s21], [sflag:$0x3], $0x80, $0x38;
	[tilespmem:$0x9D00] =	vst v63  }
0x148: {  	s18 =	sadd.s32 $0x30, s14;
	s21 =	simm.s32 $0x7858  }
0x149: {  	[hbm4b:s18+s3] =	stream.linear.scatter [tilespmem:s21], [sflag:$0x3], $0x80, $0x38;
	[tilespmem:$0x9D00] =	vst v63  }
0x14a: {  	s18 =	sadd.s32 $0x40, s14;
	s21 =	simm.s32 $0x78E0  }
0x14b: {  	[hbm4b:s18+s3] =	stream.linear.scatter [tilespmem:s21], [sflag:$0x3], $0x80, $0x38;
	[tilespmem:$0x9D00] =	vst v63  }
0x14c: {  	s18 =	sadd.s32 $0x50, s14;
	s21 =	simm.s32 $0x7968  }
0x14d: {  	[hbm4b:s18+s3] =	stream.linear.scatter [tilespmem:s21], [sflag:$0x3], $0x80, $0x38;
	[tilespmem:$0x9D00] =	vst v63  }
0x14e: {  	s18 =	sadd.s32 $0x60, s14;
	s21 =	simm.s32 $0x79F0  }
0x14f: {  	[hbm4b:s18+s3] =	stream.linear.scatter [tilespmem:s21], [sflag:$0x3], $0x80, $0x38;
	[tilespmem:$0x9D00] =	vst v63  }
0x150: {  	p1 =	seq.s32 s0, $0x18;
	s14 =	sadd.s32 $0x70, s14;
	s21 =	simm.s32 $0x7A78  }
0x151: {  	[hbm4b:s14+s3] =	stream.linear.scatter [tilespmem:s21], [sflag:$0x3], $0x80, $0x38;
	[tilespmem:$0x9D00] =	vst v63  }
0x152: {  	s14 =	sshll.u32 @!p1 s0, $0x8  }
0x153: {  	s14 =	sand.u32 @!p1 $0x3FFFFF00, s14  }
0x154: {  	s15 =	simm.s32 @!p1 $0x80;
	s18 =	simm.s32 @!p1 $0x1900;
	s14 =	sadd.s32 @!p1 $0x100, s14  }
0x155: {  	[tilespmem:s18], [sflag:$0x1] =	stream.indirect.gather @!p1 [hbm4b:s4+s15], $0x40, s14, s15, $0xb8;
	[tilespmem:$0x9D00] =	vst v63  }
0x156: {  	_ =	swait.ge [sflag:s1], $0x2000  }
0x157: {  	[sflag:s1] =	ssyncset.done $0x0  }
0x158: {  	s14 =	simm.s32 @!p0 $0x4;
	[sflag:s1] =	ssyncadd.s32 $0xFFFFE000  }
0x159: {  	_ =	swait.ge @!p0 [sflag:s14], $0x400  }
0x15a: {  	[sflag:s14] =	ssyncset.done @!p0 $0x0  }
0x15b: {  	[sflag:s14] =	ssyncadd.s32 @!p0 $0xFFFFFC00  }
0x15c: {  	_ =	swait.ge @!p0 [sflag:s14], $0x400  }
0x15d: {  	[sflag:s14] =	ssyncset.done @!p0 $0x0  }
0x15e: {  	[sflag:s14] =	ssyncadd.s32 @!p0 $0xFFFFFC00  }
0x15f: {  	_ =	swait.ge @!p0 [sflag:s14], $0x400  }
0x160: {  	[sflag:s14] =	ssyncset.done @!p0 $0x0  }
0x161: {  	[sflag:s14] =	ssyncadd.s32 @!p0 $0xFFFFFC00  }
0x162: {  	_ =	swait.ge @!p0 [sflag:s14], $0x400  }
0x163: {  	[sflag:s14] =	ssyncset.done @!p0 $0x0  }
0x164: {  	[sflag:s14] =	ssyncadd.s32 @!p0 $0xFFFFFC00  }
0x165: {  	_ =	swait.ge @!p0 [sflag:s14], $0x400  }
0x166: {  	[sflag:s14] =	ssyncset.done @!p0 $0x0  }
0x167: {  	[sflag:s14] =	ssyncadd.s32 @!p0 $0xFFFFFC00  }
0x168: {  	s21 =	simm.s32 $0x3;
	_ =	swait.ge @!p0 [sflag:s14], $0x400  }
0x169: {  	v53 =	vmov s21;
	s21 =	simm.s32 $0x4;
	s18 =	simm.s32 $0x0;
	[sflag:s14] =	ssyncset.done @!p0 $0x0  }
0x16a: {  	v54 =	vmov s21;
	s21 =	simm.s32 $0x5;
	v50 =	vmov s18;
	s18 =	simm.s32 $0x2;
	[sflag:s14] =	ssyncadd.s32 @!p0 $0xFFFFFC00  }
0x16b: {  	v36 =	vshrl.u32 v53, $0x3;
	v39 =	vmov s21;
	v52 =	vmov s18;
	s18 =	simm.s32 $0x7;
	_ =	swait.ge @!p0 [sflag:s14], $0x400  }
0x16c: {  	s15 =	simm.s32 $0x1;
	s21 =	simm.s32 $0x6;
	v37 =	vshrl.u32 v54, $0x3;
	v58 =	vshll.u32 v36, v1;
	v55 =	vmov s18;
	[sflag:s14] =	ssyncset.done @!p0 $0x0  }
0x16d: {  	v51 =	vmov s15;
	v40 =	vmov s21;
	v38 =	vshrl.u32 v55, $0x3;
	[sflag:s14] =	ssyncadd.s32 @!p0 $0xFFFFFC00  }
0x16e: {  	v61 =	vshll.u32 v37, v1;
	v34 =	vshrl.u32 v51, $0x3;
	v38 =	vshll.u32 v38, v1;
	_ =	swait.ge @!p0 [sflag:s14], $0x400  }
0x16f: {  	v35 =	vshrl.u32 v52, $0x3;
	v34 =	vshll.u32 v34, v1;
	v38 =	vbroadcast v38, $0x0;
	[sflag:s14] =	ssyncset.done @!p0 $0x0  }
0x170: {  	v33 =	vshrl.u32 v50, $0x3;
	v47 =	vbroadcast v34, $0x0;
	v56 =	vshll.u32 v35, v1;
	[sflag:s14] =	ssyncadd.s32 @!p0 $0xFFFFFC00;
	s14 =	simm.s32 $0x3A00  }
0x171: {  	v33 =	vshll.u32 v33, v1;
	v53 =	vbroadcast v56, $0x0;
	v42 =	vadd.s32 v29, v38;
	v41 =	vld [tilespmem:s14+$0xC0]  }
0x172: {  	v40 =	vshrl.u32 v40, $0x3;
	v33 =	vbroadcast v33, $0x0;
	v60 =	vadd.s32 v5, v47;
	v59 =	vld [tilespmem:s14+$0xFFFFFF40]  }
0x173: {  	v35 =	vbroadcast v58, $0x0;
	v55 =	vshrl.u32 v39, $0x3;
	v63 =	vadd.s32 v9, v53;
	v62 =	vld [tilespmem:s14+$0xFFFFFF80]  }
0x174: {  	v34 =	vbroadcast v61, $0x0;
	v36 =	vshll.u32 v55, v1;
	v57 =	vadd.s32 v0, v33;
	v43 =	vld [tilespmem:s14+$0xFFFFFF00]  }
0x175: {  	v56 =	vshll.u32 v40, v1;
	v50 =	vadd.s32 v13, v35;
	v37 =	vbroadcast v36, $0x0;
	v39 =	vld [tilespmem:s14+$0xFFFFFFC0]  }
0x176: {  	v52 =	vadd.s32 v17, v34;
	v36 =	vbroadcast v56, $0x0;
	v51 =	vld [tilespmem:s14+$0x0];
	[tilespmem:v42+s17+$0x0] =	vst.idx.msk $0xffff, v41  }
0x177: {  	[tilespmem:v60+s17+$0x0] =	vst.idx.msk $0xffff, v59;
	v59 =	vld [tilespmem:s14+$0x40];
	v60 =	vadd.s32 v21, v37  }
0x178: {  	v61 =	vld [tilespmem:s14+$0x80];
	[tilespmem:v63+s17+$0x0] =	vst.idx.msk $0xffff, v62;
	v62 =	vadd.s32 v25, v36  }
0x179: {  	v58 =	vadd.s32 v30, v38;
	[tilespmem:v57+s17+$0x0] =	vst.idx.msk $0xffff, v43;
	v57 =	vld [tilespmem:s14+$0xD0]  }
0x17a: {  	v63 =	vadd.s32 v6, v47;
	[tilespmem:v50+s17+$0x0] =	vst.idx.msk $0xffff, v39;
	v46 =	vld [tilespmem:s14+$0xFFFFFF50]  }
0x17b: {  	v55 =	vadd.s32 v10, v53;
	[tilespmem:v52+s17+$0x0] =	vst.idx.msk $0xffff, v51;
	v54 =	vld [tilespmem:s14+$0xFFFFFF90]  }
0x17c: {  	v56 =	vadd.s32 v14, v35;
	v50 =	vld [tilespmem:s14+$0xFFFFFFD0];
	[tilespmem:v60+s17+$0x0] =	vst.idx.msk $0xffff, v59  }
0x17d: {  	[tilespmem:v62+s17+$0x0] =	vst.idx.msk $0xffff, v61;
	v61 =	vld [tilespmem:s14+$0xFFFFFF10];
	v62 =	vadd.s32 v2, v33  }
0x17e: {  	v59 =	vadd.s32 v18, v34;
	[tilespmem:v58+s17+$0x0] =	vst.idx.msk $0xffff, v57;
	v58 =	vld [tilespmem:s14+$0x10]  }
0x17f: {  	v57 =	vadd.s32 v31, v38;
	[tilespmem:v63+s17+$0x0] =	vst.idx.msk $0xffff, v46;
	v40 =	vld [tilespmem:s14+$0xE0]  }
0x180: {  	v45 =	vadd.s32 v22, v37;
	v44 =	vld [tilespmem:s14+$0x50];
	[tilespmem:v55+s17+$0x0] =	vst.idx.msk $0xffff, v54  }
0x181: {  	v60 =	vadd.s32 v26, v36;
	v63 =	vld [tilespmem:s14+$0x90];
	[tilespmem:v56+s17+$0x0] =	vst.idx.msk $0xffff, v50  }
0x182: {  	v51 =	vadd.s32 v7, v47;
	v50 =	vld [tilespmem:s14+$0xFFFFFF60];
	[tilespmem:v62+s17+$0x0] =	vst.idx.msk $0xffff, v61  }
0x183: {  	v56 =	vadd.s32 v11, v53;
	v55 =	vld [tilespmem:s14+$0xFFFFFFA0];
	[tilespmem:v59+s17+$0x0] =	vst.idx.msk $0xffff, v58  }
0x184: {  	v58 =	vadd.s32 v15, v35;
	[tilespmem:v57+s17+$0x0] =	vst.idx.msk $0xffff, v40;
	v57 =	vld [tilespmem:s14+$0xFFFFFFE0]  }
0x185: {  	v38 =	vadd.s32 v32, v38;
	[tilespmem:v45+s17+$0x0] =	vst.idx.msk $0xffff, v44;
	v54 =	vld [tilespmem:s14+$0xF0]  }
0x186: {  	[tilespmem:v60+s17+$0x0] =	vst.idx.msk $0xffff, v63;
	v60 =	vadd.s32 v19, v34;
	v59 =	vld [tilespmem:s14+$0x20]  }
0x187: {  	s21 =	simm.s32 $0x9;
	s18 =	simm.s32 $0x8;
	v48 =	vadd.s32 v3, v33;
	v41 =	vadd.s32 v23, v37;
	[tilespmem:v51+s17+$0x0] =	vst.idx.msk $0xffff, v50;
	v40 =	vld [tilespmem:s14+$0x60]  }
0x188: {  	v52 =	vmov s21;
	s21 =	simm.s32 $0xB;
	v43 =	vadd.s32 v27, v36;
	v63 =	vmov s18;
	v42 =	vld [tilespmem:s14+$0xA0];
	[tilespmem:v56+s17+$0x0] =	vst.idx.msk $0xffff, v55  }
0x189: {  	v53 =	vadd.s32 v12, v53;
	s18 =	simm.s32 $0xA;
	v44 =	vmov s21;
	s21 =	simm.s32 $0xD;
	v45 =	vld [tilespmem:s14+$0xFFFFFF20];
	v39 =	vshrl.u32 v63, $0x3;
	[tilespmem:v58+s17+$0x0] =	vst.idx.msk $0xffff, v57  }
0x18a: {  	v51 =	vadd.s32 v8, v47;
	v49 =	vld [tilespmem:s14+$0xFFFFFF70];
	[tilespmem:v38+s17+$0x0] =	vst.idx.msk $0xffff, v54;
	v54 =	vmov s18;
	s18 =	simm.s32 $0xC;
	v38 =	vmov s21;
	s21 =	simm.s32 $0xE  }
0x18b: {  	s6 =	sor.u32 $0x1, s6;
	s15 =	simm.s32 $0x10;
	v47 =	vshll.u32 v39, v1;
	v50 =	vld [tilespmem:s14+$0xFFFFFFB0];
	[tilespmem:v60+s17+$0x0] =	vst.idx.msk $0xffff, v59;
	v46 =	vmov s18;
	v39 =	vmov s21;
	s18 =	simm.s32 $0xF  }
.LBB2_5:
0x18c: {  	p0 =	slt.u32 s15, $0x78;
	v52 =	vshrl.u32 v52, $0x3;
	v55 =	vmov s18;
	v56 =	vld [tilespmem:s14+$0xFFFFFFF0];
	v35 =	vadd.s32 v16, v35;
	[tilespmem:v41+s17+$0x0] =	vst.idx.msk $0xffff, v40  }
0x18d: {  	v40 =	vshrl.u32 v54, $0x3;
	v34 =	vadd.s32 v20, v34;
	v41 =	vshrl.u32 v55, $0x3;
	v54 =	vld [tilespmem:s14+$0x30];
	[tilespmem:v43+s17+$0x0] =	vst.idx.msk $0xffff, v42  }
0x18e: {  	v37 =	vadd.s32 v24, v37;
	v42 =	vshrl.u32 v44, $0x3;
	v41 =	vshll.u32 v41, v1;
	[tilespmem:v48+s17+$0x0] =	vst.idx.msk $0xffff, v45;
	v43 =	vld [tilespmem:s14+$0x70]  }
0x18f: {  	v36 =	vadd.s32 v28, v36;
	v44 =	vshrl.u32 v46, $0x3;
	v41 =	vbroadcast v41, $0x0;
	[tilespmem:v51+s17+$0x0] =	vst.idx.msk $0xffff, v49;
	v45 =	vld [tilespmem:s14+$0xB0]  }
0x190: {  	v46 =	vshll.u32 v52, v1;
	v49 =	vadd.s32 v4, v33;
	v33 =	vbroadcast v47, $0x0;
	v48 =	vld [tilespmem:s14+$0xFFFFFF30];
	[tilespmem:v53+s17+$0x0] =	vst.idx.msk $0xffff, v50;
	s14 =	sadd.s32 $0x200, s14  }
0x191: {  	v40 =	vshll.u32 v40, v1;
	v47 =	vbroadcast v46, $0x0;
	v46 =	vld [tilespmem:s14+$0xC0];
	v50 =	vadd.s32 v29, v41;
	[tilespmem:v35+s17+$0x0] =	vst.idx.msk $0xffff, v56  }
0x192: {  	v53 =	vbroadcast v40, $0x0;
	v52 =	vadd.s32 v0, v33;
	v35 =	vshll.u32 v42, v1;
	v51 =	vld [tilespmem:s14+$0xFFFFFF00];
	[tilespmem:v34+s17+$0x0] =	vst.idx.msk $0xffff, v54  }
0x193: {  	v42 =	vadd.s32 v5, v47;
	v35 =	vbroadcast v35, $0x0;
	v34 =	vshll.u32 v44, v1;
	v40 =	vld [tilespmem:s14+$0xFFFFFF40];
	[tilespmem:v37+s17+$0x0] =	vst.idx.msk $0xffff, v43  }
0x194: {  	v44 =	vadd.s32 v9, v53;
	v34 =	vbroadcast v34, $0x0;
	v37 =	vshrl.u32 v38, $0x3;
	v43 =	vld [tilespmem:s14+$0xFFFFFF80];
	[tilespmem:v36+s17+$0x0] =	vst.idx.msk $0xffff, v45  }
0x195: {  	v39 =	vshrl.u32 v39, $0x3;
	v45 =	vadd.s32 v13, v35;
	v36 =	vshll.u32 v37, v1;
	v38 =	vld [tilespmem:s14+$0xFFFFFFC0];
	[tilespmem:v49+s17+$0x0] =	vst.idx.msk $0xffff, v48  }
0x196: {  	v49 =	vadd.s32 v17, v34;
	v37 =	vbroadcast v36, $0x0;
	v36 =	vshll.u32 v39, v1;
	v48 =	vld [tilespmem:s14+$0x0];
	[tilespmem:v50+s17+$0x0] =	vst.idx.msk $0xffff, v46  }
0x197: {  	v36 =	vbroadcast v36, $0x0;
	v46 =	vadd.s32 v30, v41;
	[tilespmem:v52+s17+$0x0] =	vst.idx.msk $0xffff, v51;
	v39 =	vld [tilespmem:s14+$0xD0]  }
0x198: {  	[tilespmem:v42+s17+$0x0] =	vst.idx.msk $0xffff, v40;
	v40 =	vld [tilespmem:s14+$0x40];
	v42 =	vadd.s32 v21, v37  }
0x199: {  	[tilespmem:v44+s17+$0x0] =	vst.idx.msk $0xffff, v43;
	v43 =	vld [tilespmem:s14+$0x80];
	v44 =	vadd.s32 v25, v36  }
0x19a: {  	v51 =	vadd.s32 v6, v47;
	v50 =	vld [tilespmem:s14+$0xFFFFFF50];
	[tilespmem:v45+s17+$0x0] =	vst.idx.msk $0xffff, v38  }
0x19b: {  	v45 =	vadd.s32 v10, v53;
	v38 =	vld [tilespmem:s14+$0xFFFFFF90];
	[tilespmem:v49+s17+$0x0] =	vst.idx.msk $0xffff, v48  }
0x19c: {  	v49 =	vadd.s32 v14, v35;
	v48 =	vld [tilespmem:s14+$0xFFFFFFD0];
	[tilespmem:v46+s17+$0x0] =	vst.idx.msk $0xffff, v39  }
0x19d: {  	[tilespmem:v42+s17+$0x0] =	vst.idx.msk $0xffff, v40;
	v39 =	vld [tilespmem:s14+$0xE0];
	v40 =	vadd.s32 v31, v41  }
0x19e: {  	v46 =	vadd.s32 v18, v34;
	v42 =	vld [tilespmem:s14+$0x10];
	[tilespmem:v44+s17+$0x0] =	vst.idx.msk $0xffff, v43  }
0x19f: {  	v44 =	vadd.s32 v22, v37;
	[tilespmem:v51+s17+$0x0] =	vst.idx.msk $0xffff, v50;
	v43 =	vld [tilespmem:s14+$0x50]  }
0x1a0: {  	[tilespmem:v45+s17+$0x0] =	vst.idx.msk $0xffff, v38;
	v38 =	vld [tilespmem:s14+$0x90];
	v45 =	vadd.s32 v26, v36  }
0x1a1: {  	v51 =	vadd.s32 v2, v33;
	v50 =	vld [tilespmem:s14+$0xFFFFFF10];
	[tilespmem:v49+s17+$0x0] =	vst.idx.msk $0xffff, v48  }
0x1a2: {  	v49 =	vadd.s32 v7, v47;
	v48 =	vld [tilespmem:s14+$0xFFFFFF60];
	[tilespmem:v40+s17+$0x0] =	vst.idx.msk $0xffff, v39  }
0x1a3: {  	[tilespmem:v46+s17+$0x0] =	vst.idx.msk $0xffff, v42;
	v39 =	vld [tilespmem:s14+$0xF0];
	v46 =	vadd.s32 v32, v41  }
0x1a4: {  	v56 =	vadd.s32 v11, v53;
	v55 =	vld [tilespmem:s14+$0xFFFFFFA0];
	[tilespmem:v44+s17+$0x0] =	vst.idx.msk $0xffff, v43  }
0x1a5: {  	v58 =	vadd.s32 v15, v35;
	v57 =	vld [tilespmem:s14+$0xFFFFFFE0];
	[tilespmem:v45+s17+$0x0] =	vst.idx.msk $0xffff, v38  }
0x1a6: {  	v60 =	vadd.s32 v19, v34;
	[tilespmem:v51+s17+$0x0] =	vst.idx.msk $0xffff, v50;
	v59 =	vld [tilespmem:s14+$0x20]  }
.Ltmp3:
0x1a7: {  	s18 =	sadd.s32 $0x1, s15;
	v41 =	vadd.s32 v23, v37;
	v38 =	vmov s15;
	[tilespmem:v49+s17+$0x0] =	vst.idx.msk $0xffff, v48;
	v40 =	vld [tilespmem:s14+$0x60];
	(pc) =	sbr.rel @p0 .LBB2_5-.Ltmp3, $4  }
0x1a8: {  	s21 =	sadd.s32 $0x3, s15;
	v52 =	vmov s18;
	s18 =	sadd.s32 $0x2, s15;
	v43 =	vadd.s32 v27, v36;
	v50 =	vshrl.u32 v38, $0x3;
	v42 =	vld [tilespmem:s14+$0xA0];
	[tilespmem:v46+s17+$0x0] =	vst.idx.msk $0xffff, v39  }
0x1a9: {  	v54 =	vmov s18;
	s18 =	sadd.s32 $0x4, s15;
	v44 =	vmov s21;
	s21 =	sadd.s32 $0x5, s15;
	v48 =	vadd.s32 v3, v33;
	v45 =	vld [tilespmem:s14+$0xFFFFFF20];
	[tilespmem:v56+s17+$0x0] =	vst.idx.msk $0xffff, v55  }
0x1aa: {  	v38 =	vmov s21;
	v51 =	vadd.s32 v8, v47;
	v46 =	vmov s18;
	s18 =	sadd.s32 $0x6, s15;
	v49 =	vld [tilespmem:s14+$0xFFFFFF70];
	[tilespmem:v58+s17+$0x0] =	vst.idx.msk $0xffff, v57  }
0x1ab: {  	v53 =	vadd.s32 v12, v53;
	v47 =	vshll.u32 v50, v1;
	v39 =	vmov s18;
	s18 =	sadd.s32 $0x7, s15;
	s15 =	sadd.s32 $0x8, s15;
	v50 =	vld [tilespmem:s14+$0xFFFFFFB0];
	[tilespmem:v60+s17+$0x0] =	vst.idx.msk $0xffff, v59  }
0x1ac: {  	_ =	sdelay $0x2  }
0x1ad: {  	v52 =	vshrl.u32 v52, $0x3  }
0x1ae: {  	v55 =	vmov s18;
	v56 =	vld [tilespmem:s14+$0xFFFFFFF0];
	v35 =	vadd.s32 v16, v35;
	[tilespmem:v41+s17+$0x0] =	vst.idx.msk $0xffff, v40;
	v57 =	vshrl.u32 v54, $0x3  }
0x1af: {  	v59 =	vld [tilespmem:s14+$0x30];
	v34 =	vadd.s32 v20, v34;
	v60 =	vshrl.u32 v44, $0x3;
	v58 =	vshrl.u32 v55, $0x3;
	[tilespmem:v43+s17+$0x0] =	vst.idx.msk $0xffff, v42  }
0x1b0: {  	v37 =	vadd.s32 v24, v37;
	v62 =	vshrl.u32 v46, $0x3;
	v61 =	vld [tilespmem:s14+$0x70];
	v41 =	vshll.u32 v58, v1;
	[tilespmem:v48+s17+$0x0] =	vst.idx.msk $0xffff, v45  }
0x1b1: {  	v36 =	vadd.s32 v28, v36;
	v46 =	vbroadcast v47, $0x0;
	v63 =	vld [tilespmem:s14+$0xB0];
	v41 =	vbroadcast v41, $0x0;
	[tilespmem:v51+s17+$0x0] =	vst.idx.msk $0xffff, v49  }
0x1b2: {  	v33 =	vadd.s32 v4, v33;
	s15 =	sadd.s32 $0x200, s14;
	v38 =	vshrl.u32 v38, $0x3;
	v55 =	vshll.u32 v52, v1;
	v48 =	vld [tilespmem:s14+$0xFFFFFF30];
	[tilespmem:v53+s17+$0x0] =	vst.idx.msk $0xffff, v50  }
0x1b3: {  	v40 =	vshll.u32 v57, v1;
	v47 =	vbroadcast v55, $0x0;
	v49 =	vld [tilespmem:s15+$0xC0];
	v50 =	vadd.s32 v29, v41;
	[tilespmem:v35+s17+$0x0] =	vst.idx.msk $0xffff, v56  }
0x1b4: {  	v42 =	vshll.u32 v60, v1;
	v40 =	vbroadcast v40, $0x0;
	v35 =	vld [tilespmem:s15+$0xFFFFFF00];
	v56 =	vadd.s32 v0, v46;
	[tilespmem:v34+s17+$0x0] =	vst.idx.msk $0xffff, v59  }
0x1b5: {  	v57 =	vld [tilespmem:s15+$0xFFFFFF40];
	v44 =	vshll.u32 v62, v1;
	v42 =	vbroadcast v42, $0x0;
	v58 =	vadd.s32 v5, v47;
	[tilespmem:v37+s17+$0x0] =	vst.idx.msk $0xffff, v61  }
0x1b6: {  	v38 =	vshll.u32 v38, v1;
	v44 =	vbroadcast v44, $0x0;
	v60 =	vadd.s32 v9, v40;
	v59 =	vld [tilespmem:s15+$0xFFFFFF80];
	[tilespmem:v36+s17+$0x0] =	vst.idx.msk $0xffff, v63  }
0x1b7: {  	v38 =	vbroadcast v38, $0x0;
	v62 =	vadd.s32 v13, v42;
	v61 =	vld [tilespmem:s15+$0xFFFFFFC0];
	[tilespmem:v33+s17+$0x0] =	vst.idx.msk $0xffff, v48  }
0x1b8: {  	v39 =	vshrl.u32 v39, $0x3;
	v63 =	vadd.s32 v17, v44;
	v33 =	vld [tilespmem:s15+$0x0];
	[tilespmem:v50+s17+$0x0] =	vst.idx.msk $0xffff, v49  }
0x1b9: {  	v39 =	vshll.u32 v39, v1;
	v34 =	vld [tilespmem:s15+$0x40];
	[tilespmem:v56+s17+$0x0] =	vst.idx.msk $0xffff, v35;
	v56 =	vadd.s32 v21, v38  }
0x1ba: {  	[tilespmem:v58+s17+$0x0] =	vst.idx.msk $0xffff, v57;
	v35 =	vbroadcast v39, $0x0;
	v49 =	vadd.s32 v30, v41;
	v39 =	vld [tilespmem:s15+$0xD0]  }
0x1bb: {  	[tilespmem:v60+s17+$0x0] =	vst.idx.msk $0xffff, v59;
	v59 =	vld [tilespmem:s15+$0xFFFFFF50];
	v60 =	vadd.s32 v6, v47  }
0x1bc: {  	v57 =	vld [tilespmem:s15+$0x80];
	[tilespmem:v62+s17+$0x0] =	vst.idx.msk $0xffff, v61;
	v58 =	vadd.s32 v25, v35  }
0x1bd: {  	v61 =	vld [tilespmem:s15+$0xFFFFFF90];
	v62 =	vadd.s32 v10, v40;
	[tilespmem:v63+s17+$0x0] =	vst.idx.msk $0xffff, v33  }
0x1be: {  	v33 =	vld [tilespmem:s15+$0xFFFFFFD0];
	v63 =	vadd.s32 v14, v42;
	[tilespmem:v56+s17+$0x0] =	vst.idx.msk $0xffff, v34  }
0x1bf: {  	v56 =	vadd.s32 v18, v44;
	[tilespmem:v49+s17+$0x0] =	vst.idx.msk $0xffff, v39;
	v49 =	vld [tilespmem:s15+$0x10]  }
0x1c0: {  	[tilespmem:v60+s17+$0x0] =	vst.idx.msk $0xffff, v59;
	v39 =	vadd.s32 v31, v41;
	v34 =	vld [tilespmem:s15+$0xE0]  }
0x1c1: {  	[tilespmem:v58+s17+$0x0] =	vst.idx.msk $0xffff, v57;
	v57 =	vld [tilespmem:s15+$0x50];
	v58 =	vadd.s32 v22, v38  }
0x1c2: {  	[tilespmem:v62+s17+$0x0] =	vst.idx.msk $0xffff, v61;
	v61 =	vld [tilespmem:s15+$0xFFFFFF10];
	v62 =	vadd.s32 v2, v46  }
0x1c3: {  	v60 =	vadd.s32 v26, v35;
	v59 =	vld [tilespmem:s15+$0x90];
	[tilespmem:v63+s17+$0x0] =	vst.idx.msk $0xffff, v33  }
0x1c4: {  	v55 =	vadd.s32 v11, v40;
	v54 =	vadd.s32 v32, v41;
	v41 =	vld [tilespmem:s15+$0xFFFFFFA0];
	[tilespmem:v56+s17+$0x0] =	vst.idx.msk $0xffff, v49  }
0x1c5: {  	v53 =	vadd.s32 v7, v47;
	v63 =	vld [tilespmem:s15+$0xFFFFFF60];
	[tilespmem:v39+s17+$0x0] =	vst.idx.msk $0xffff, v34  }
0x1c6: {  	v56 =	vld [tilespmem:s15+$0xFFFFFFE0];
	[tilespmem:v58+s17+$0x0] =	vst.idx.msk $0xffff, v57;
	v57 =	vadd.s32 v15, v42  }
0x1c7: {  	[tilespmem:v62+s17+$0x0] =	vst.idx.msk $0xffff, v61;
	v34 =	vld [tilespmem:s15+$0xF0]  }
0x1c8: {  	v58 =	vld [tilespmem:s15+$0x20];
	[tilespmem:v60+s17+$0x0] =	vst.idx.msk $0xffff, v59;
	v59 =	vadd.s32 v19, v44  }
0x1c9: {  	v61 =	vadd.s32 v23, v38;
	[tilespmem:v55+s17+$0x0] =	vst.idx.msk $0xffff, v41;
	v60 =	vld [tilespmem:s15+$0x60]  }
0x1ca: {  	[tilespmem:v53+s17+$0x0] =	vst.idx.msk $0xffff, v63;
	v63 =	vadd.s32 v27, v35;
	v62 =	vld [tilespmem:s15+$0xA0]  }
0x1cb: {  	v47 =	vadd.s32 v8, v47;
	v55 =	vld [tilespmem:s15+$0xFFFFFF70];
	[tilespmem:v57+s17+$0x0] =	vst.idx.msk $0xffff, v56  }
0x1cc: {  	v53 =	vld [tilespmem:s15+$0xFFFFFF20];
	[tilespmem:v54+s17+$0x0] =	vst.idx.msk $0xffff, v34;
	v54 =	vadd.s32 v3, v46  }
0x1cd: {  	v40 =	vadd.s32 v12, v40;
	v56 =	vld [tilespmem:s15+$0xFFFFFFB0];
	[tilespmem:v59+s17+$0x0] =	vst.idx.msk $0xffff, v58  }
0x1ce: {  	v42 =	vadd.s32 v16, v42;
	v57 =	vld [tilespmem:s15+$0xFFFFFFF0];
	[tilespmem:v61+s17+$0x0] =	vst.idx.msk $0xffff, v60  }
0x1cf: {  	v59 =	vadd.s32 v20, v44;
	v58 =	vld [tilespmem:s15+$0x30];
	[tilespmem:v63+s17+$0x0] =	vst.idx.msk $0xffff, v62  }
0x1d0: {  	v38 =	vadd.s32 v24, v38;
	v60 =	vld [tilespmem:s15+$0x70];
	[tilespmem:v47+s17+$0x0] =	vst.idx.msk $0xffff, v55  }
0x1d1: {  	v35 =	vadd.s32 v28, v35;
	v61 =	vld [tilespmem:s15+$0xB0];
	[tilespmem:v54+s17+$0x0] =	vst.idx.msk $0xffff, v53  }
0x1d2: {  	v63 =	vadd.s32 v4, v46;
	[tilespmem:v40+s17+$0x0] =	vst.idx.msk $0xffff, v56;
	v62 =	vld [tilespmem:s15+$0xFFFFFF30]  }
0x1d3: {  	s6 =	sadd.s32 s5, s6;
	[tilespmem:v42+s17+$0x0] =	vst.idx.msk $0xffff, v57  }
0x1d4: {  	s18 =	sshll.u32 s6, $0xA;
	s6 =	sshll.u32 s6, $0x7;
	[tilespmem:v59+s17+$0x0] =	vst.idx.msk $0xffff, v58  }
0x1d5: {  	s6 =	sand.u32 $0xF80, s6;
	s14 =	sand.u32 $0xFFF8000, s18;
	[tilespmem:v38+s17+$0x0] =	vst.idx.msk $0xffff, v60  }
0x1d6: {  	s6 =	sor.u32 s6, s14;
	[tilespmem:v35+s17+$0x0] =	vst.idx.msk $0xffff, v61  }
0x1d7: {  	s14 =	sadd.s32 s2, s6;
	[tilespmem:v63+s17+$0x0] =	vst.idx.msk $0xffff, v62  }
0x1d8: {  	[hbm4b:s14+s3] =	stream.linear.scatter [tilespmem:s17], [sflag:$0x4], $0x80, $0x38;
	[tilespmem:$0x9D00] =	vst v63  }
0x1d9: {  	s21 =	simm.s32 $0x7B88;
	s15 =	sadd.s32 $0x10, s14  }
0x1da: {  	[hbm4b:s15+s3] =	stream.linear.scatter [tilespmem:s21], [sflag:$0x4], $0x80, $0x38;
	[tilespmem:$0x9D00] =	vst v63  }
0x1db: {  	s18 =	sadd.s32 $0x20, s14;
	s21 =	simm.s32 $0x7C10  }
0x1dc: {  	[hbm4b:s18+s3] =	stream.linear.scatter [tilespmem:s21], [sflag:$0x4], $0x80, $0x38;
	[tilespmem:$0x9D00] =	vst v63  }
0x1dd: {  	s18 =	sadd.s32 $0x30, s14;
	s21 =	simm.s32 $0x7C98  }
0x1de: {  	[hbm4b:s18+s3] =	stream.linear.scatter [tilespmem:s21], [sflag:$0x4], $0x80, $0x38;
	[tilespmem:$0x9D00] =	vst v63  }
0x1df: {  	s18 =	sadd.s32 $0x40, s14;
	s21 =	simm.s32 $0x7D20  }
0x1e0: {  	[hbm4b:s18+s3] =	stream.linear.scatter [tilespmem:s21], [sflag:$0x4], $0x80, $0x38;
	[tilespmem:$0x9D00] =	vst v63  }
0x1e1: {  	s18 =	sadd.s32 $0x50, s14;
	s21 =	simm.s32 $0x7DA8  }
0x1e2: {  	[hbm4b:s18+s3] =	stream.linear.scatter [tilespmem:s21], [sflag:$0x4], $0x80, $0x38;
	[tilespmem:$0x9D00] =	vst v63  }
0x1e3: {  	s18 =	sadd.s32 $0x60, s14;
	s21 =	simm.s32 $0x7E30  }
0x1e4: {  	[hbm4b:s18+s3] =	stream.linear.scatter [tilespmem:s21], [sflag:$0x4], $0x80, $0x38;
	[tilespmem:$0x9D00] =	vst v63  }
0x1e5: {  	s14 =	sadd.s32 $0x70, s14;
	s18 =	simm.s32 $0x7EB8  }
0x1e6: {  	[hbm4b:s14+s3] =	stream.linear.scatter [tilespmem:s18], [sflag:$0x4], $0x80, $0x38;
	[tilespmem:$0x9D00] =	vst v63  }
0x1e7: {  	s21 =	simm.s32 $0x7F40;
	s14 =	sadd.s32 s6, s7  }
0x1e8: {  	[hbm4b:s14+s3] =	stream.linear.scatter [tilespmem:s21], [sflag:$0x4], $0x80, $0x38;
	[tilespmem:$0x9D00] =	vst v63  }
0x1e9: {  	s18 =	sadd.s32 $0x10, s14;
	s21 =	simm.s32 $0x7FC8  }
0x1ea: {  	[hbm4b:s18+s3] =	stream.linear.scatter [tilespmem:s21], [sflag:$0x4], $0x80, $0x38;
	[tilespmem:$0x9D00] =	vst v63  }
0x1eb: {  	s18 =	sadd.s32 $0x20, s14;
	s21 =	simm.s32 $0x8050  }
0x1ec: {  	[hbm4b:s18+s3] =	stream.linear.scatter [tilespmem:s21], [sflag:$0x4], $0x80, $0x38;
	[tilespmem:$0x9D00] =	vst v63  }
0x1ed: {  	s18 =	sadd.s32 $0x30, s14;
	s21 =	simm.s32 $0x80D8  }
0x1ee: {  	[hbm4b:s18+s3] =	stream.linear.scatter [tilespmem:s21], [sflag:$0x4], $0x80, $0x38;
	[tilespmem:$0x9D00] =	vst v63  }
0x1ef: {  	s18 =	sadd.s32 $0x40, s14;
	s21 =	simm.s32 $0x8160  }
0x1f0: {  	[hbm4b:s18+s3] =	stream.linear.scatter [tilespmem:s21], [sflag:$0x4], $0x80, $0x38;
	[tilespmem:$0x9D00] =	vst v63  }
0x1f1: {  	s18 =	sadd.s32 $0x50, s14;
	s21 =	simm.s32 $0x81E8  }
0x1f2: {  	[hbm4b:s18+s3] =	stream.linear.scatter [tilespmem:s21], [sflag:$0x4], $0x80, $0x38;
	[tilespmem:$0x9D00] =	vst v63  }
0x1f3: {  	s18 =	sadd.s32 $0x60, s14;
	s21 =	simm.s32 $0x8270  }
0x1f4: {  	[hbm4b:s18+s3] =	stream.linear.scatter [tilespmem:s21], [sflag:$0x4], $0x80, $0x38;
	[tilespmem:$0x9D00] =	vst v63  }
0x1f5: {  	s14 =	sadd.s32 $0x70, s14;
	s18 =	simm.s32 $0x82F8  }
0x1f6: {  	[hbm4b:s14+s3] =	stream.linear.scatter [tilespmem:s18], [sflag:$0x4], $0x80, $0x38;
	[tilespmem:$0x9D00] =	vst v63  }
0x1f7: {  	s21 =	simm.s32 $0x8380;
	s14 =	sadd.s32 s6, s8  }
0x1f8: {  	[hbm4b:s14+s3] =	stream.linear.scatter [tilespmem:s21], [sflag:$0x4], $0x80, $0x38;
	[tilespmem:$0x9D00] =	vst v63  }
0x1f9: {  	s18 =	sadd.s32 $0x10, s14;
	s21 =	simm.s32 $0x8408  }
0x1fa: {  	[hbm4b:s18+s3] =	stream.linear.scatter [tilespmem:s21], [sflag:$0x4], $0x80, $0x38;
	[tilespmem:$0x9D00] =	vst v63  }
0x1fb: {  	s18 =	sadd.s32 $0x20, s14;
	s21 =	simm.s32 $0x8490  }
0x1fc: {  	[hbm4b:s18+s3] =	stream.linear.scatter [tilespmem:s21], [sflag:$0x4], $0x80, $0x38;
	[tilespmem:$0x9D00] =	vst v63  }
0x1fd: {  	s18 =	sadd.s32 $0x30, s14;
	s21 =	simm.s32 $0x8518  }
0x1fe: {  	[hbm4b:s18+s3] =	stream.linear.scatter [tilespmem:s21], [sflag:$0x4], $0x80, $0x38;
	[tilespmem:$0x9D00] =	vst v63  }
0x1ff: {  	s18 =	sadd.s32 $0x40, s14;
	s21 =	simm.s32 $0x85A0  }
0x200: {  	[hbm4b:s18+s3] =	stream.linear.scatter [tilespmem:s21], [sflag:$0x4], $0x80, $0x38;
	[tilespmem:$0x9D00] =	vst v63  }
0x201: {  	s18 =	sadd.s32 $0x50, s14;
	s21 =	simm.s32 $0x8628  }
0x202: {  	[hbm4b:s18+s3] =	stream.linear.scatter [tilespmem:s21], [sflag:$0x4], $0x80, $0x38;
	[tilespmem:$0x9D00] =	vst v63  }
0x203: {  	s18 =	sadd.s32 $0x60, s14;
	s21 =	simm.s32 $0x86B0  }
0x204: {  	[hbm4b:s18+s3] =	stream.linear.scatter [tilespmem:s21], [sflag:$0x4], $0x80, $0x38;
	[tilespmem:$0x9D00] =	vst v63  }
0x205: {  	s14 =	sadd.s32 $0x70, s14;
	s18 =	simm.s32 $0x8738  }
0x206: {  	[hbm4b:s14+s3] =	stream.linear.scatter [tilespmem:s18], [sflag:$0x4], $0x80, $0x38;
	[tilespmem:$0x9D00] =	vst v63  }
0x207: {  	s21 =	simm.s32 $0x87C0;
	s14 =	sadd.s32 s6, s9  }
0x208: {  	[hbm4b:s14+s3] =	stream.linear.scatter [tilespmem:s21], [sflag:$0x4], $0x80, $0x38;
	[tilespmem:$0x9D00] =	vst v63  }
0x209: {  	s18 =	sadd.s32 $0x10, s14;
	s21 =	simm.s32 $0x8848  }
0x20a: {  	[hbm4b:s18+s3] =	stream.linear.scatter [tilespmem:s21], [sflag:$0x4], $0x80, $0x38;
	[tilespmem:$0x9D00] =	vst v63  }
0x20b: {  	s18 =	sadd.s32 $0x20, s14;
	s21 =	simm.s32 $0x88D0  }
0x20c: {  	[hbm4b:s18+s3] =	stream.linear.scatter [tilespmem:s21], [sflag:$0x4], $0x80, $0x38;
	[tilespmem:$0x9D00] =	vst v63  }
0x20d: {  	s18 =	sadd.s32 $0x30, s14;
	s21 =	simm.s32 $0x8958  }
0x20e: {  	[hbm4b:s18+s3] =	stream.linear.scatter [tilespmem:s21], [sflag:$0x4], $0x80, $0x38;
	[tilespmem:$0x9D00] =	vst v63  }
0x20f: {  	s18 =	sadd.s32 $0x40, s14;
	s21 =	simm.s32 $0x89E0  }
0x210: {  	[hbm4b:s18+s3] =	stream.linear.scatter [tilespmem:s21], [sflag:$0x4], $0x80, $0x38;
	[tilespmem:$0x9D00] =	vst v63  }
0x211: {  	s18 =	sadd.s32 $0x50, s14;
	s21 =	simm.s32 $0x8A68  }
0x212: {  	[hbm4b:s18+s3] =	stream.linear.scatter [tilespmem:s21], [sflag:$0x4], $0x80, $0x38;
	[tilespmem:$0x9D00] =	vst v63  }
0x213: {  	s18 =	sadd.s32 $0x60, s14;
	s21 =	simm.s32 $0x8AF0  }
0x214: {  	[hbm4b:s18+s3] =	stream.linear.scatter [tilespmem:s21], [sflag:$0x4], $0x80, $0x38;
	[tilespmem:$0x9D00] =	vst v63  }
0x215: {  	s14 =	sadd.s32 $0x70, s14;
	s18 =	simm.s32 $0x8B78  }
0x216: {  	[hbm4b:s14+s3] =	stream.linear.scatter [tilespmem:s18], [sflag:$0x4], $0x80, $0x38;
	[tilespmem:$0x9D00] =	vst v63  }
0x217: {  	s21 =	simm.s32 $0x8C00;
	s14 =	sadd.s32 s6, s10  }
0x218: {  	[hbm4b:s14+s3] =	stream.linear.scatter [tilespmem:s21], [sflag:$0x4], $0x80, $0x38;
	[tilespmem:$0x9D00] =	vst v63  }
0x219: {  	s18 =	sadd.s32 $0x10, s14;
	s21 =	simm.s32 $0x8C88  }
0x21a: {  	[hbm4b:s18+s3] =	stream.linear.scatter [tilespmem:s21], [sflag:$0x4], $0x80, $0x38;
	[tilespmem:$0x9D00] =	vst v63  }
0x21b: {  	s18 =	sadd.s32 $0x20, s14;
	s21 =	simm.s32 $0x8D10  }
0x21c: {  	[hbm4b:s18+s3] =	stream.linear.scatter [tilespmem:s21], [sflag:$0x4], $0x80, $0x38;
	[tilespmem:$0x9D00] =	vst v63  }
0x21d: {  	s18 =	sadd.s32 $0x30, s14;
	s21 =	simm.s32 $0x8D98  }
0x21e: {  	[hbm4b:s18+s3] =	stream.linear.scatter [tilespmem:s21], [sflag:$0x4], $0x80, $0x38;
	[tilespmem:$0x9D00] =	vst v63  }
0x21f: {  	s18 =	sadd.s32 $0x40, s14;
	s21 =	simm.s32 $0x8E20  }
0x220: {  	[hbm4b:s18+s3] =	stream.linear.scatter [tilespmem:s21], [sflag:$0x4], $0x80, $0x38;
	[tilespmem:$0x9D00] =	vst v63  }
0x221: {  	s18 =	sadd.s32 $0x50, s14;
	s21 =	simm.s32 $0x8EA8  }
0x222: {  	[hbm4b:s18+s3] =	stream.linear.scatter [tilespmem:s21], [sflag:$0x4], $0x80, $0x38;
	[tilespmem:$0x9D00] =	vst v63  }
0x223: {  	s18 =	sadd.s32 $0x60, s14;
	s21 =	simm.s32 $0x8F30  }
0x224: {  	[hbm4b:s18+s3] =	stream.linear.scatter [tilespmem:s21], [sflag:$0x4], $0x80, $0x38;
	[tilespmem:$0x9D00] =	vst v63  }
0x225: {  	s14 =	sadd.s32 $0x70, s14;
	s18 =	simm.s32 $0x8FB8  }
0x226: {  	[hbm4b:s14+s3] =	stream.linear.scatter [tilespmem:s18], [sflag:$0x4], $0x80, $0x38;
	[tilespmem:$0x9D00] =	vst v63  }
0x227: {  	s21 =	simm.s32 $0x9040;
	s14 =	sadd.s32 s6, s11  }
0x228: {  	[hbm4b:s14+s3] =	stream.linear.scatter [tilespmem:s21], [sflag:$0x4], $0x80, $0x38;
	[tilespmem:$0x9D00] =	vst v63  }
0x229: {  	s18 =	sadd.s32 $0x10, s14;
	s21 =	simm.s32 $0x90C8  }
0x22a: {  	[hbm4b:s18+s3] =	stream.linear.scatter [tilespmem:s21], [sflag:$0x4], $0x80, $0x38;
	[tilespmem:$0x9D00] =	vst v63  }
0x22b: {  	s18 =	sadd.s32 $0x20, s14;
	s21 =	simm.s32 $0x9150  }
0x22c: {  	[hbm4b:s18+s3] =	stream.linear.scatter [tilespmem:s21], [sflag:$0x4], $0x80, $0x38;
	[tilespmem:$0x9D00] =	vst v63  }
0x22d: {  	s18 =	sadd.s32 $0x30, s14;
	s21 =	simm.s32 $0x91D8  }
0x22e: {  	[hbm4b:s18+s3] =	stream.linear.scatter [tilespmem:s21], [sflag:$0x4], $0x80, $0x38;
	[tilespmem:$0x9D00] =	vst v63  }
0x22f: {  	s18 =	sadd.s32 $0x40, s14;
	s21 =	simm.s32 $0x9260  }
0x230: {  	[hbm4b:s18+s3] =	stream.linear.scatter [tilespmem:s21], [sflag:$0x4], $0x80, $0x38;
	[tilespmem:$0x9D00] =	vst v63  }
0x231: {  	s18 =	sadd.s32 $0x50, s14;
	s21 =	simm.s32 $0x92E8  }
0x232: {  	[hbm4b:s18+s3] =	stream.linear.scatter [tilespmem:s21], [sflag:$0x4], $0x80, $0x38;
	[tilespmem:$0x9D00] =	vst v63  }
0x233: {  	s18 =	sadd.s32 $0x60, s14;
	s21 =	simm.s32 $0x9370  }
0x234: {  	[hbm4b:s18+s3] =	stream.linear.scatter [tilespmem:s21], [sflag:$0x4], $0x80, $0x38;
	[tilespmem:$0x9D00] =	vst v63  }
0x235: {  	s14 =	sadd.s32 $0x70, s14;
	s18 =	simm.s32 $0x93F8  }
0x236: {  	[hbm4b:s14+s3] =	stream.linear.scatter [tilespmem:s18], [sflag:$0x4], $0x80, $0x38;
	[tilespmem:$0x9D00] =	vst v63  }
0x237: {  	s21 =	simm.s32 $0x9480;
	s14 =	sadd.s32 s6, s12  }
0x238: {  	[hbm4b:s14+s3] =	stream.linear.scatter [tilespmem:s21], [sflag:$0x4], $0x80, $0x38;
	[tilespmem:$0x9D00] =	vst v63  }
0x239: {  	s18 =	sadd.s32 $0x10, s14;
	s21 =	simm.s32 $0x9508  }
0x23a: {  	[hbm4b:s18+s3] =	stream.linear.scatter [tilespmem:s21], [sflag:$0x4], $0x80, $0x38;
	[tilespmem:$0x9D00] =	vst v63  }
0x23b: {  	s18 =	sadd.s32 $0x20, s14;
	s21 =	simm.s32 $0x9590  }
0x23c: {  	[hbm4b:s18+s3] =	stream.linear.scatter [tilespmem:s21], [sflag:$0x4], $0x80, $0x38;
	[tilespmem:$0x9D00] =	vst v63  }
0x23d: {  	s18 =	sadd.s32 $0x30, s14;
	s21 =	simm.s32 $0x9618  }
0x23e: {  	[hbm4b:s18+s3] =	stream.linear.scatter [tilespmem:s21], [sflag:$0x4], $0x80, $0x38;
	[tilespmem:$0x9D00] =	vst v63  }
0x23f: {  	s18 =	sadd.s32 $0x40, s14;
	s21 =	simm.s32 $0x96A0  }
0x240: {  	[hbm4b:s18+s3] =	stream.linear.scatter [tilespmem:s21], [sflag:$0x4], $0x80, $0x38;
	[tilespmem:$0x9D00] =	vst v63  }
0x241: {  	s18 =	sadd.s32 $0x50, s14;
	s21 =	simm.s32 $0x9728  }
0x242: {  	[hbm4b:s18+s3] =	stream.linear.scatter [tilespmem:s21], [sflag:$0x4], $0x80, $0x38;
	[tilespmem:$0x9D00] =	vst v63  }
0x243: {  	s18 =	sadd.s32 $0x60, s14;
	s21 =	simm.s32 $0x97B0  }
0x244: {  	[hbm4b:s18+s3] =	stream.linear.scatter [tilespmem:s21], [sflag:$0x4], $0x80, $0x38;
	[tilespmem:$0x9D00] =	vst v63  }
0x245: {  	s14 =	sadd.s32 $0x70, s14  }
0x246: {  	[hbm4b:s14+s3] =	stream.linear.scatter [tilespmem:s23], [sflag:$0x4], $0x80, $0x38;
	[tilespmem:$0x9D00] =	vst v63  }
0x247: {  	s6 =	sadd.s32 s6, s13  }
0x248: {  	[hbm4b:s6+s3] =	stream.linear.scatter [tilespmem:s24], [sflag:$0x4], $0x80, $0x38;
	[tilespmem:$0x9D00] =	vst v63  }
0x249: {  	s15 =	sadd.s32 $0x10, s6  }
0x24a: {  	[hbm4b:s15+s3] =	stream.linear.scatter [tilespmem:s25], [sflag:$0x4], $0x80, $0x38;
	[tilespmem:$0x9D00] =	vst v63  }
0x24b: {  	s18 =	sadd.s32 $0x20, s6  }
0x24c: {  	[hbm4b:s18+s3] =	stream.linear.scatter [tilespmem:s26], [sflag:$0x4], $0x80, $0x38;
	[tilespmem:$0x9D00] =	vst v63  }
0x24d: {  	s21 =	sadd.s32 $0x30, s6  }
0x24e: {  	[hbm4b:s21+s3] =	stream.linear.scatter [tilespmem:s28], [sflag:$0x4], $0x80, $0x38;
	[tilespmem:$0x9D00] =	vst v63  }
0x24f: {  	s15 =	sadd.s32 $0x40, s6  }
0x250: {  	[hbm4b:s15+s3] =	stream.linear.scatter [tilespmem:s16], [sflag:$0x4], $0x80, $0x38;
	[tilespmem:$0x9D00] =	vst v63  }
0x251: {  	s18 =	sadd.s32 $0x50, s6  }
0x252: {  	[hbm4b:s18+s3] =	stream.linear.scatter [tilespmem:s29], [sflag:$0x4], $0x80, $0x38;
	[tilespmem:$0x9D00] =	vst v63  }
.Ltmp4:
0x253: {  	_ = 	snop;
	(pc) =	sbr.rel @p1 .LBB2_8-.Ltmp4, $4  }
0x254: {  	s21 =	sadd.s32 $0x60, s6  }
0x255: {  	[hbm4b:s21+s3] =	stream.linear.scatter [tilespmem:s30], [sflag:$0x4], $0x80, $0x38;
	[tilespmem:$0x9D00] =	vst v63  }
0x256: {  	s6 =	sadd.s32 $0x70, s6  }
0x257: {  	[hbm4b:s6+s3] =	stream.linear.scatter [tilespmem:s31], [sflag:$0x4], $0x80, $0x38;
	[tilespmem:$0x9D00] =	vst v63  }
.Ltmp5:
0x258: {  	(pc) =	sbr.rel .LBB2_2-.Ltmp5, $4  }
0x259: {  	s6 =	sshll.u32 s0, $0x8  }
0x25a: {  	s6 =	sand.u32 $0x3FFFFF00, s6  }
0x25b: {  	s14 =	simm.s32 $0x3900;
	s0 =	sadd.s32 $0x1, s0;
	s6 =	sadd.s32 $0x180, s6  }
0x25c: {  	[tilespmem:s14], [sflag:$0x2] =	stream.indirect.gather [hbm4b:s4+s22], $0x40, s6, s22, $0xb8;
	[tilespmem:$0x9D00] =	vst v63  }
.LBB2_9:
0x25d: {  	_ =	sfence.sel $0x180000  }
0x25e: {  	[bflag:$0x0] =	sbarrier.arrive $0xFFFF  }
0x25f: {  	_ =	strace $0x90000047  }
0x260: {  	s0 =	stileid.u32;
	[bflag:$0x2] =	sbarrier.arrive $0xFFFF  }
0x261: {  	p0 =	sne.s32 s0, $0x0;
	s0 =	rddreg [dreg:$0x3]  }
0x262: {  	s0 =	sadd.s32 @!p0 $0x100000, s0  }
0x263: {  	[sflag:s0] =	ssyncadd.tile.s32 @!p0 $0x1;
	_ =	shalt  }
.Lfunc_end2:
_tile_overlayer_lowered:
.L_overlay_start_2:
0x264: {  	(tag) =	ssettag $0x2  }
0x265: {  	s0 =	rddreg [dreg:$0x0];
	s2 =	stileid.u32  }
0x266: {  	s1 =	rddreg [dreg:$0x1];
	p0 =	sne.s32 s2, $0x0  }
0x267: {  	s3 =	rddreg [dreg:$0x2];
	[bflag:$0x3] =	sbarrier.arrive $0xFFFF;
	s2 =	simm.s32 @!p0 $0x1C05  }
0x268: {  	[timem:s3], [sflag:s2] =	dma.local @!p0 [hbm:s0], s1  }
0x269: {  	s0 =	simm.s32 @!p0 $0x5  }
0x26a: {  	_ =	swait.ge @!p0 [sflag:s0], s1  }
0x26b: {  	s1 =	ssub.s32 @!p0 $0x0, s1;
	[sflag:s0] =	ssyncset.done @!p0 $0x0  }
0x26c: {  	[sflag:s0] =	ssyncadd.s32 @!p0 s1  }
0x26d: {  	[bflag:$0x3] =	sbarrier.arrive $0xFFFF  }
0x26e: {  	_ =	shalt  }

</sc_bundles>
